<compile_context>
chip_gen: v7x
topology: tpu7x:2x2x1
jax: 0.10.2.dev20260603
libtpu: 0.0.44.dev20260713+nightly
codegen_flags: <defaults>
</compile_context>

<pallas_src>
import functools

import jax
import jax.numpy as jnp
from jax import lax
from jax.experimental import pallas as pl
from jax.experimental.pallas import tpu as pltpu
from jax.experimental.pallas import tpu_sc as plsc

_LANES = 16
_CHUNK = 2


def _bow_mean_sc(tokens_flat, table, B, S):
    V, D = table.shape
    info = plsc.get_sparse_core_info()
    NC, NS = info.num_cores, info.num_subcores
    NW = NC * NS
    b_per_w = B // NW
    n_col = D // _LANES
    n_chunks = b_per_w // _CHUNK
    ids_per_chunk = _CHUNK * S
    inv_s = jnp.float32(1.0 / S)

    mesh = plsc.VectorSubcoreMesh(core_axis_name="c", subcore_axis_name="s")

    @functools.partial(
        pl.kernel,
        mesh=mesh,
        out_type=jax.ShapeDtypeStruct((B, D), jnp.float32),
        scratch_types=[
            pltpu.VMEM((ids_per_chunk,), jnp.int32),
            pltpu.VMEM((ids_per_chunk,), jnp.int32),
            pltpu.VMEM((ids_per_chunk, D), jnp.float32),
            pltpu.VMEM((ids_per_chunk, D), jnp.float32),
            pltpu.VMEM((b_per_w, D), jnp.float32),
            pltpu.SemaphoreType.DMA,
            pltpu.SemaphoreType.DMA,
        ],
    )
    def k(tok_hbm, table_hbm, out_hbm, idx_a, idx_b, buf_a, buf_b, out_v,
          sem_a, sem_b):
        wid = lax.axis_index("c") * NS + lax.axis_index("s")
        tok_base = wid * b_per_w * S

        def start(c, idx_v, buf, sem):
            pltpu.sync_copy(
                tok_hbm.at[pl.ds(tok_base + c * ids_per_chunk, ids_per_chunk)],
                idx_v)
            pltpu.make_async_copy(table_hbm.at[idx_v], buf, sem).start()

        def wait(buf, sem):
            pltpu.make_async_copy(table_hbm.at[idx_a], buf, sem).wait()

        def accumulate(buf, c):
            def rbody(r, acc):
                new = []
                for m in range(_CHUNK):
                    for j in range(n_col):
                        new.append(acc[m * n_col + j]
                                   + buf[m * S + r, pl.ds(j * _LANES, _LANES)])
                return tuple(new)

            zero = jnp.zeros((_LANES,), jnp.float32)
            acc = lax.fori_loop(0, S, rbody, (zero,) * (n_col * _CHUNK))
            for m in range(_CHUNK):
                for j in range(n_col):
                    out_v[c * _CHUNK + m, pl.ds(j * _LANES, _LANES)] = (
                        acc[m * n_col + j] * inv_s)

        start(0, idx_a, buf_a, sem_a)

        def pair(i, carry):
            c0 = i * 2
            start(c0 + 1, idx_b, buf_b, sem_b)
            wait(buf_a, sem_a)
            accumulate(buf_a, c0)

            @pl.when(c0 + 2 < n_chunks)
            def _():
                start(c0 + 2, idx_a, buf_a, sem_a)

            wait(buf_b, sem_b)
            accumulate(buf_b, c0 + 1)
            return carry

        lax.fori_loop(0, n_chunks // 2, pair, 0)

        pltpu.sync_copy(out_v, out_hbm.at[pl.ds(wid * b_per_w, b_per_w)])

    return k(tokens_flat, table)


def kernel(tokens, table):
    B, S = tokens.shape
    tokens_flat = tokens.astype(jnp.int32).reshape(B * S)
    table = table.astype(jnp.float32)
    return _bow_mean_sc(tokens_flat, table, B, S)

# --- scband reference (transcript-rebuilt; emitter-appended) ---
"""Pipeline reference for scband-bag-of-words-embedding-model-52286931862290 (READ-ONLY COPY).

The authoritative reference and input builder live on the scoring server;
editing this copy changes nothing except your own understanding.
"""

import jax, jax.numpy as jnp
import numpy as np

VOCAB = 100000
EMBED_DIM = 128
BATCH = 4096
SEQ = 200

def setup_inputs(seed: int = 0) -> dict:
    key = jax.random.key(seed)
    k1, k2 = jax.random.split(key)
    tokens = jax.random.randint(k1, (BATCH, SEQ), 0, VOCAB, dtype=jnp.int64 if jax.config.jax_enable_x64 else jnp.int32)
    table = jax.random.normal(k2, (VOCAB, EMBED_DIM), dtype=jnp.float32) * 0.02
    return {"tokens": tokens, "table": table}

def reference(tokens, table):
    # Embedding lookup: gather rows of the table per token id
    emb = jnp.take(table, tokens, axis=0)  # (B, L, D)
    # Average embedding over words of sentences
    return jnp.mean(emb, axis=1)  # (B, D)

if __name__ == "__main__":
    import jax
    _d = setup_inputs()
    print(jax.jit(kernel)(*tuple(_d.values())))

</pallas_src>

<mosaic_0001>
#map = affine_map<(d0, d1) -> (0)>
#map1 = affine_map<(d0, d1) -> (0, 0)>
module attributes {stable_mosaic.version = 14 : i64} {
  func.func @_rewritten_body(%arg0: i32, %arg1: i32, %arg2: memref<819200xi32, #tpu.memory_space<hbm>>, %arg3: memref<100000x128xf32, #tpu.memory_space<hbm>>, %arg4: memref<1xf32, #tpu.memory_space<hbm>>, %arg5: memref<4096x128xf32, #tpu.memory_space<hbm>>, %arg6: memref<400xi32, #tpu.memory_space<vmem>>, %arg7: memref<400xi32, #tpu.memory_space<vmem>>, %arg8: memref<400x128xf32, #tpu.memory_space<vmem>>, %arg9: memref<400x128xf32, #tpu.memory_space<vmem>>, %arg10: memref<128x128xf32, #tpu.memory_space<vmem>>, %arg11: memref<!tpu.dma_semaphore, #tpu.memory_space<semaphore_mem>>, %arg12: memref<!tpu.dma_semaphore, #tpu.memory_space<semaphore_mem>>) attributes {dimension_semantics = [#tpu.dimension_semantics<core_parallel>, #tpu.dimension_semantics<subcore_parallel>], iteration_bounds = array<i64: 2, 16>, scalar_prefetch = 0 : i64, scratch_operands = 7 : i64, tpu.core_type = #tpu.core_type<sc_vector_subcore>, window_params = [{transform_indices = #map}, {transform_indices = #map1}, {transform_indices = #map}, {transform_indices = #map1}]} {
    %empty_ref3A = memref.alloca() : memref<16xf32, #tpu.memory_space<vmem>>
    "tpu.region"() ({
      %run_scoped3A = tpu.sem_alloc : memref<!tpu.dma_semaphore, #tpu.memory_space<semaphore_mem>>
      %dma_start3A_18 = arith.constant 0 : i32
      %dma_start3A_19 = tpu.memref_slice %empty_ref3A[%dma_start3A_18] : memref<16xf32, #tpu.memory_space<vmem>> -> memref<1xf32, #tpu.memory_space<vmem>>
      %dma_start3A_20 = arith.constant 0 : i32
      %dma_start3A_21 = tpu.memref_slice %empty_ref3A[%dma_start3A_20] : memref<16xf32, #tpu.memory_space<vmem>> -> memref<1xf32, #tpu.memory_space<vmem>>
      tpu.enqueue_dma source(%arg4 : memref<1xf32, #tpu.memory_space<hbm>>) target(%dma_start3A_21 : memref<1xf32, #tpu.memory_space<vmem>>) target_semaphore(%run_scoped3A : memref<!tpu.dma_semaphore, #tpu.memory_space<semaphore_mem>>)
      %dma_wait3A = arith.constant 0 : i32
      %dma_wait3A_22 = tpu.memref_slice %empty_ref3A[%dma_wait3A] : memref<16xf32, #tpu.memory_space<vmem>> -> memref<1xf32, #tpu.memory_space<vmem>>
      %dma_wait3A_23 = arith.constant 0 : i32
      %dma_wait3A_24 = tpu.memref_slice %empty_ref3A[%dma_wait3A_23] : memref<16xf32, #tpu.memory_space<vmem>> -> memref<1xf32, #tpu.memory_space<vmem>>
      tpu.wait_dma2 semaphore(%run_scoped3A : memref<!tpu.dma_semaphore, #tpu.memory_space<semaphore_mem>>) src(%arg4 : memref<1xf32, #tpu.memory_space<hbm>>) dst(%dma_wait3A_24 : memref<1xf32, #tpu.memory_space<vmem>>)
      tpu.yield
    }) : () -> ()
    %get3A = arith.constant 0 : index
    %get3A_0 = tpu.vector_load %empty_ref3A[%get3A] {strides = array<i32>} : memref<16xf32, #tpu.memory_space<vmem>>, vector<16xf32>,
    %get3A_1 = vector.shape_cast %get3A_0 : vector<16xf32> to vector<16xf32>
    %slice3A = vector.extract_strided_slice %get3A_1 {offsets = [0], sizes = [1], strides = [1]} : vector<16xf32> to vector<1xf32>
    %squeeze3A = vector.extract %slice3A[0] : f32 from vector<1xf32>
    %mul3A = arith.constant 16 : i32
    %mul3A_2 = arith.muli %arg0, %mul3A : i32
    %add3A = arith.addi %mul3A_2, %arg1 : i32
    %mul3A_3 = arith.constant 128 : i32
    %mul3A_4 = arith.muli %add3A, %mul3A_3 : i32
    %mul3A_5 = arith.constant 200 : i32
    %mul3A_6 = arith.muli %mul3A_4, %mul3A_5 : i32
    %add3A_7 = arith.constant 0 : i32
    %add3A_8 = arith.addi %mul3A_6, %add3A_7 : i32
    "tpu.region"() ({
      %run_scoped3A = tpu.sem_alloc : memref<!tpu.dma_semaphore, #tpu.memory_space<semaphore_mem>>
      %dma_start3A_18 = tpu.memref_slice %arg2[%add3A_8] : memref<819200xi32, #tpu.memory_space<hbm>> -> memref<400xi32, #tpu.memory_space<hbm>>
      %dma_start3A_19 = tpu.memref_slice %arg2[%add3A_8] : memref<819200xi32, #tpu.memory_space<hbm>> -> memref<400xi32, #tpu.memory_space<hbm>>
      tpu.enqueue_dma source(%dma_start3A_19 : memref<400xi32, #tpu.memory_space<hbm>>) target(%arg6 : memref<400xi32, #tpu.memory_space<vmem>>) target_semaphore(%run_scoped3A : memref<!tpu.dma_semaphore, #tpu.memory_space<semaphore_mem>>)
      %dma_wait3A = tpu.memref_slice %arg2[%add3A_8] : memref<819200xi32, #tpu.memory_space<hbm>> -> memref<400xi32, #tpu.memory_space<hbm>>
      %dma_wait3A_20 = tpu.memref_slice %arg2[%add3A_8] : memref<819200xi32, #tpu.memory_space<hbm>> -> memref<400xi32, #tpu.memory_space<hbm>>
      tpu.wait_dma2 semaphore(%run_scoped3A : memref<!tpu.dma_semaphore, #tpu.memory_space<semaphore_mem>>) src(%dma_wait3A_20 : memref<400xi32, #tpu.memory_space<hbm>>) dst(%arg6 : memref<400xi32, #tpu.memory_space<vmem>>)
      tpu.yield
    }) : () -> ()
    %dma_start3A = arith.constant 0 : i32
    %dma_start3A_9 = arith.constant 0 : i32
    %dma_start3A_10 = tpu.memref_slice %arg3[%dma_start3A, %dma_start3A_9] : memref<100000x128xf32, #tpu.memory_space<hbm>> -> memref<100000x128xf32, #tpu.memory_space<hbm>>
    tpu.enqueue_indirect_dma source(%dma_start3A_10 : memref<100000x128xf32, #tpu.memory_space<hbm>>) target(%arg8 : memref<400x128xf32, #tpu.memory_space<vmem>>) offsets(%arg6 : memref<400xi32, #tpu.memory_space<vmem>>) semaphore(%arg11 : memref<!tpu.dma_semaphore, #tpu.memory_space<semaphore_mem>>)
    %scan3A = arith.constant 0 : i32
    %scan3A_11 = arith.constant 0 : i32
    %scan3A_12 = arith.constant 32 : i32
    %scan3A_13 = arith.addi %scan3A_11, %scan3A_12 : i32
    %scan3A_14 = arith.constant 1 : i32
    scf.for %scan3A_18 = %scan3A_11 to %scan3A_13 step %scan3A_14  : i32 {
      %mul3A_19 = arith.constant 2 : i32
      %mul3A_20 = arith.muli %scan3A_18, %mul3A_19 : i32
      %add3A_21 = arith.constant 1 : i32
      %add3A_22 = arith.addi %mul3A_20, %add3A_21 : i32
      %mul3A_23 = arith.constant 400 : i32
      %mul3A_24 = arith.muli %add3A_22, %mul3A_23 : i32
      %add3A_25 = arith.addi %mul3A_6, %mul3A_24 : i32
      "tpu.region"() ({
        %run_scoped3A = tpu.sem_alloc : memref<!tpu.dma_semaphore, #tpu.memory_space<semaphore_mem>>
        %dma_start3A_406 = tpu.memref_slice %arg2[%add3A_25] : memref<819200xi32, #tpu.memory_space<hbm>> -> memref<400xi32, #tpu.memory_space<hbm>>
        %dma_start3A_407 = tpu.memref_slice %arg2[%add3A_25] : memref<819200xi32, #tpu.memory_space<hbm>> -> memref<400xi32, #tpu.memory_space<hbm>>
        tpu.enqueue_dma source(%dma_start3A_407 : memref<400xi32, #tpu.memory_space<hbm>>) target(%arg7 : memref<400xi32, #tpu.memory_space<vmem>>) target_semaphore(%run_scoped3A : memref<!tpu.dma_semaphore, #tpu.memory_space<semaphore_mem>>)
        %dma_wait3A_408 = tpu.memref_slice %arg2[%add3A_25] : memref<819200xi32, #tpu.memory_space<hbm>> -> memref<400xi32, #tpu.memory_space<hbm>>
        %dma_wait3A_409 = tpu.memref_slice %arg2[%add3A_25] : memref<819200xi32, #tpu.memory_space<hbm>> -> memref<400xi32, #tpu.memory_space<hbm>>
        tpu.wait_dma2 semaphore(%run_scoped3A : memref<!tpu.dma_semaphore, #tpu.memory_space<semaphore_mem>>) src(%dma_wait3A_409 : memref<400xi32, #tpu.memory_space<hbm>>) dst(%arg7 : memref<400xi32, #tpu.memory_space<vmem>>)
        tpu.yield
      }) : () -> ()
      %dma_start3A_26 = arith.constant 0 : i32
      %dma_start3A_27 = arith.constant 0 : i32
      %dma_start3A_28 = tpu.memref_slice %arg3[%dma_start3A_26, %dma_start3A_27] : memref<100000x128xf32, #tpu.memory_space<hbm>> -> memref<100000x128xf32, #tpu.memory_space<hbm>>
      tpu.enqueue_indirect_dma source(%dma_start3A_28 : memref<100000x128xf32, #tpu.memory_space<hbm>>) target(%arg9 : memref<400x128xf32, #tpu.memory_space<vmem>>) offsets(%arg7 : memref<400xi32, #tpu.memory_space<vmem>>) semaphore(%arg12 : memref<!tpu.dma_semaphore, #tpu.memory_space<semaphore_mem>>)
      %dma_wait3A = arith.constant 0 : i32
      %dma_wait3A_29 = arith.constant 0 : i32
      %dma_wait3A_30 = tpu.memref_slice %arg3[%dma_wait3A, %dma_wait3A_29] : memref<100000x128xf32, #tpu.memory_space<hbm>> -> memref<100000x128xf32, #tpu.memory_space<hbm>>
      tpu.wait_indirect_dma semaphore(%arg11 : memref<!tpu.dma_semaphore, #tpu.memory_space<semaphore_mem>>) src(%dma_wait3A_30 : memref<100000x128xf32, #tpu.memory_space<hbm>>) dst(%arg8 : memref<400x128xf32, #tpu.memory_space<vmem>>)
      %broadcast_in_dim3A = arith.constant 0.000000e+00 : f32
      %broadcast_in_dim3A_31 = vector.broadcast %broadcast_in_dim3A : f32 to vector<16xf32>
      %scan3A_32 = arith.constant 0 : i32
      %scan3A_33 = arith.constant 200 : i32
      %scan3A_34 = arith.addi %scan3A_32, %scan3A_33 : i32
      %scan3A_35 = arith.constant 1 : i32
      %scan3A_36:16 = scf.for %scan3A_406 = %scan3A_32 to %scan3A_34 step %scan3A_35 iter_args(%scan3A_407 = %broadcast_in_dim3A_31, %scan3A_408 = %broadcast_in_dim3A_31, %scan3A_409 = %broadcast_in_dim3A_31, %scan3A_410 = %broadcast_in_dim3A_31, %scan3A_411 = %broadcast_in_dim3A_31, %scan3A_412 = %broadcast_in_dim3A_31, %scan3A_413 = %broadcast_in_dim3A_31, %scan3A_414 = %broadcast_in_dim3A_31, %scan3A_415 = %broadcast_in_dim3A_31, %scan3A_416 = %broadcast_in_dim3A_31, %scan3A_417 = %broadcast_in_dim3A_31, %scan3A_418 = %broadcast_in_dim3A_31, %scan3A_419 = %broadcast_in_dim3A_31, %scan3A_420 = %broadcast_in_dim3A_31, %scan3A_421 = %broadcast_in_dim3A_31, %scan3A_422 = %broadcast_in_dim3A_31) -> (vector<16xf32>, vector<16xf32>, vector<16xf32>, vector<16xf32>, vector<16xf32>, vector<16xf32>, vector<16xf32>, vector<16xf32>, vector<16xf32>, vector<16xf32>, vector<16xf32>, vector<16xf32>, vector<16xf32>, vector<16xf32>, vector<16xf32>, vector<16xf32>)  : i32 {
        %add3A_423 = arith.constant 0 : i32
        %add3A_424 = arith.addi %add3A_423, %scan3A_406 : i32
        %get3A_425 = arith.index_cast %add3A_424 : i32 to index
        %get3A_426 = arith.constant 0 : index
        %get3A_427 = tpu.vector_load %arg8[%get3A_425, %get3A_426] {strides = array<i32>} : memref<400x128xf32, #tpu.memory_space<vmem>>, vector<1x16xf32>,
        %get3A_428 = vector.shape_cast %get3A_427 : vector<1x16xf32> to vector<16xf32>
        %add3A_429 = arith.addf %scan3A_407, %get3A_428 : vector<16xf32>
        %add3A_430 = arith.constant 0 : i32
        %add3A_431 = arith.addi %add3A_430, %scan3A_406 : i32
        %get3A_432 = arith.index_cast %add3A_431 : i32 to index
        %get3A_433 = arith.constant 16 : index
        %get3A_434 = tpu.vector_load %arg8[%get3A_432, %get3A_433] {strides = array<i32>} : memref<400x128xf32, #tpu.memory_space<vmem>>, vector<1x16xf32>,
        %get3A_435 = vector.shape_cast %get3A_434 : vector<1x16xf32> to vector<16xf32>
        %add3A_436 = arith.addf %scan3A_408, %get3A_435 : vector<16xf32>
        %add3A_437 = arith.constant 0 : i32
        %add3A_438 = arith.addi %add3A_437, %scan3A_406 : i32
        %get3A_439 = arith.index_cast %add3A_438 : i32 to index
        %get3A_440 = arith.constant 32 : index
        %get3A_441 = tpu.vector_load %arg8[%get3A_439, %get3A_440] {strides = array<i32>} : memref<400x128xf32, #tpu.memory_space<vmem>>, vector<1x16xf32>,
        %get3A_442 = vector.shape_cast %get3A_441 : vector<1x16xf32> to vector<16xf32>
        %add3A_443 = arith.addf %scan3A_409, %get3A_442 : vector<16xf32>
        %add3A_444 = arith.constant 0 : i32
        %add3A_445 = arith.addi %add3A_444, %scan3A_406 : i32
        %get3A_446 = arith.index_cast %add3A_445 : i32 to index
        %get3A_447 = arith.constant 48 : index
        %get3A_448 = tpu.vector_load %arg8[%get3A_446, %get3A_447] {strides = array<i32>} : memref<400x128xf32, #tpu.memory_space<vmem>>, vector<1x16xf32>,
        %get3A_449 = vector.shape_cast %get3A_448 : vector<1x16xf32> to vector<16xf32>
        %add3A_450 = arith.addf %scan3A_410, %get3A_449 : vector<16xf32>
        %add3A_451 = arith.constant 0 : i32
        %add3A_452 = arith.addi %add3A_451, %scan3A_406 : i32
        %get3A_453 = arith.index_cast %add3A_452 : i32 to index
        %get3A_454 = arith.constant 64 : index
        %get3A_455 = tpu.vector_load %arg8[%get3A_453, %get3A_454] {strides = array<i32>} : memref<400x128xf32, #tpu.memory_space<vmem>>, vector<1x16xf32>,
        %get3A_456 = vector.shape_cast %get3A_455 : vector<1x16xf32> to vector<16xf32>
        %add3A_457 = arith.addf %scan3A_411, %get3A_456 : vector<16xf32>
        %add3A_458 = arith.constant 0 : i32
        %add3A_459 = arith.addi %add3A_458, %scan3A_406 : i32
        %get3A_460 = arith.index_cast %add3A_459 : i32 to index
        %get3A_461 = arith.constant 80 : index
        %get3A_462 = tpu.vector_load %arg8[%get3A_460, %get3A_461] {strides = array<i32>} : memref<400x128xf32, #tpu.memory_space<vmem>>, vector<1x16xf32>,
        %get3A_463 = vector.shape_cast %get3A_462 : vector<1x16xf32> to vector<16xf32>
        %add3A_464 = arith.addf %scan3A_412, %get3A_463 : vector<16xf32>
        %add3A_465 = arith.constant 0 : i32
        %add3A_466 = arith.addi %add3A_465, %scan3A_406 : i32
        %get3A_467 = arith.index_cast %add3A_466 : i32 to index
        %get3A_468 = arith.constant 96 : index
        %get3A_469 = tpu.vector_load %arg8[%get3A_467, %get3A_468] {strides = array<i32>} : memref<400x128xf32, #tpu.memory_space<vmem>>, vector<1x16xf32>,
        %get3A_470 = vector.shape_cast %get3A_469 : vector<1x16xf32> to vector<16xf32>
        %add3A_471 = arith.addf %scan3A_413, %get3A_470 : vector<16xf32>
        %add3A_472 = arith.constant 0 : i32
        %add3A_473 = arith.addi %add3A_472, %scan3A_406 : i32
        %get3A_474 = arith.index_cast %add3A_473 : i32 to index
        %get3A_475 = arith.constant 112 : index
        %get3A_476 = tpu.vector_load %arg8[%get3A_474, %get3A_475] {strides = array<i32>} : memref<400x128xf32, #tpu.memory_space<vmem>>, vector<1x16xf32>,
        %get3A_477 = vector.shape_cast %get3A_476 : vector<1x16xf32> to vector<16xf32>
        %add3A_478 = arith.addf %scan3A_414, %get3A_477 : vector<16xf32>
        %add3A_479 = arith.constant 200 : i32
        %add3A_480 = arith.addi %add3A_479, %scan3A_406 : i32
        %get3A_481 = arith.index_cast %add3A_480 : i32 to index
        %get3A_482 = arith.constant 0 : index
        %get3A_483 = tpu.vector_load %arg8[%get3A_481, %get3A_482] {strides = array<i32>} : memref<400x128xf32, #tpu.memory_space<vmem>>, vector<1x16xf32>,
        %get3A_484 = vector.shape_cast %get3A_483 : vector<1x16xf32> to vector<16xf32>
        %add3A_485 = arith.addf %scan3A_415, %get3A_484 : vector<16xf32>
        %add3A_486 = arith.constant 200 : i32
        %add3A_487 = arith.addi %add3A_486, %scan3A_406 : i32
        %get3A_488 = arith.index_cast %add3A_487 : i32 to index
        %get3A_489 = arith.constant 16 : index
        %get3A_490 = tpu.vector_load %arg8[%get3A_488, %get3A_489] {strides = array<i32>} : memref<400x128xf32, #tpu.memory_space<vmem>>, vector<1x16xf32>,
        %get3A_491 = vector.shape_cast %get3A_490 : vector<1x16xf32> to vector<16xf32>
        %add3A_492 = arith.addf %scan3A_416, %get3A_491 : vector<16xf32>
        %add3A_493 = arith.constant 200 : i32
        %add3A_494 = arith.addi %add3A_493, %scan3A_406 : i32
        %get3A_495 = arith.index_cast %add3A_494 : i32 to index
        %get3A_496 = arith.constant 32 : index
        %get3A_497 = tpu.vector_load %arg8[%get3A_495, %get3A_496] {strides = array<i32>} : memref<400x128xf32, #tpu.memory_space<vmem>>, vector<1x16xf32>,
        %get3A_498 = vector.shape_cast %get3A_497 : vector<1x16xf32> to vector<16xf32>
        %add3A_499 = arith.addf %scan3A_417, %get3A_498 : vector<16xf32>
        %add3A_500 = arith.constant 200 : i32
        %add3A_501 = arith.addi %add3A_500, %scan3A_406 : i32
        %get3A_502 = arith.index_cast %add3A_501 : i32 to index
        %get3A_503 = arith.constant 48 : index
        %get3A_504 = tpu.vector_load %arg8[%get3A_502, %get3A_503] {strides = array<i32>} : memref<400x128xf32, #tpu.memory_space<vmem>>, vector<1x16xf32>,
        %get3A_505 = vector.shape_cast %get3A_504 : vector<1x16xf32> to vector<16xf32>
        %add3A_506 = arith.addf %scan3A_418, %get3A_505 : vector<16xf32>
        %add3A_507 = arith.constant 200 : i32
        %add3A_508 = arith.addi %add3A_507, %scan3A_406 : i32
        %get3A_509 = arith.index_cast %add3A_508 : i32 to index
        %get3A_510 = arith.constant 64 : index
        %get3A_511 = tpu.vector_load %arg8[%get3A_509, %get3A_510] {strides = array<i32>} : memref<400x128xf32, #tpu.memory_space<vmem>>, vector<1x16xf32>,
        %get3A_512 = vector.shape_cast %get3A_511 : vector<1x16xf32> to vector<16xf32>
        %add3A_513 = arith.addf %scan3A_419, %get3A_512 : vector<16xf32>
        %add3A_514 = arith.constant 200 : i32
        %add3A_515 = arith.addi %add3A_514, %scan3A_406 : i32
        %get3A_516 = arith.index_cast %add3A_515 : i32 to index
        %get3A_517 = arith.constant 80 : index
        %get3A_518 = tpu.vector_load %arg8[%get3A_516, %get3A_517] {strides = array<i32>} : memref<400x128xf32, #tpu.memory_space<vmem>>, vector<1x16xf32>,
        %get3A_519 = vector.shape_cast %get3A_518 : vector<1x16xf32> to vector<16xf32>
        %add3A_520 = arith.addf %scan3A_420, %get3A_519 : vector<16xf32>
        %add3A_521 = arith.constant 200 : i32
        %add3A_522 = arith.addi %add3A_521, %scan3A_406 : i32
        %get3A_523 = arith.index_cast %add3A_522 : i32 to index
        %get3A_524 = arith.constant 96 : index
        %get3A_525 = tpu.vector_load %arg8[%get3A_523, %get3A_524] {strides = array<i32>} : memref<400x128xf32, #tpu.memory_space<vmem>>, vector<1x16xf32>,
        %get3A_526 = vector.shape_cast %get3A_525 : vector<1x16xf32> to vector<16xf32>
        %add3A_527 = arith.addf %scan3A_421, %get3A_526 : vector<16xf32>
        %add3A_528 = arith.constant 200 : i32
        %add3A_529 = arith.addi %add3A_528, %scan3A_406 : i32
        %get3A_530 = arith.index_cast %add3A_529 : i32 to index
        %get3A_531 = arith.constant 112 : index
        %get3A_532 = tpu.vector_load %arg8[%get3A_530, %get3A_531] {strides = array<i32>} : memref<400x128xf32, #tpu.memory_space<vmem>>, vector<1x16xf32>,
        %get3A_533 = vector.shape_cast %get3A_532 : vector<1x16xf32> to vector<16xf32>
        %add3A_534 = arith.addf %scan3A_422, %get3A_533 : vector<16xf32>
        scf.yield %add3A_429, %add3A_436, %add3A_443, %add3A_450, %add3A_457, %add3A_464, %add3A_471, %add3A_478, %add3A_485, %add3A_492, %add3A_499, %add3A_506, %add3A_513, %add3A_520, %add3A_527, %add3A_534 : vector<16xf32>, vector<16xf32>, vector<16xf32>, vector<16xf32>, vector<16xf32>, vector<16xf32>, vector<16xf32>, vector<16xf32>, vector<16xf32>, vector<16xf32>, vector<16xf32>, vector<16xf32>, vector<16xf32>, vector<16xf32>, vector<16xf32>, vector<16xf32>
      }
      %scan3A_37 = arith.constant 200 : i32
      %mul3A_38 = vector.broadcast %squeeze3A : f32 to vector<16xf32>
      %mul3A_39 = arith.mulf %scan3A_36#0, %mul3A_38 : vector<16xf32>
      %mul3A_40 = arith.constant 2 : i32
      %mul3A_41 = arith.muli %mul3A_20, %mul3A_40 : i32
      %add3A_42 = arith.constant 0 : i32
      %add3A_43 = arith.addi %mul3A_41, %add3A_42 : i32
      %swap3A = arith.index_cast %add3A_43 : i32 to index
      %swap3A_44 = arith.constant 0 : index
      %swap3A_45 = tpu.vector_load %arg10[%swap3A, %swap3A_44] {strides = array<i32>} : memref<128x128xf32, #tpu.memory_space<vmem>>, vector<1x16xf32>,
      %swap3A_46 = vector.shape_cast %swap3A_45 : vector<1x16xf32> to vector<16xf32>
      %swap3A_47 = vector.shape_cast %mul3A_39 : vector<16xf32> to vector<1x16xf32>
      tpu.vector_store %arg10[%swap3A, %swap3A_44], %swap3A_47 {strides = array<i32>} : memref<128x128xf32, #tpu.memory_space<vmem>>, vector<1x16xf32>,
      %mul3A_48 = vector.broadcast %squeeze3A : f32 to vector<16xf32>
      %mul3A_49 = arith.mulf %scan3A_36#1, %mul3A_48 : vector<16xf32>
      %mul3A_50 = arith.constant 2 : i32
      %mul3A_51 = arith.muli %mul3A_20, %mul3A_50 : i32
      %add3A_52 = arith.constant 0 : i32
      %add3A_53 = arith.addi %mul3A_51, %add3A_52 : i32
      %swap3A_54 = arith.index_cast %add3A_53 : i32 to index
      %swap3A_55 = arith.constant 16 : index
      %swap3A_56 = tpu.vector_load %arg10[%swap3A_54, %swap3A_55] {strides = array<i32>} : memref<128x128xf32, #tpu.memory_space<vmem>>, vector<1x16xf32>,
      %swap3A_57 = vector.shape_cast %swap3A_56 : vector<1x16xf32> to vector<16xf32>
      %swap3A_58 = vector.shape_cast %mul3A_49 : vector<16xf32> to vector<1x16xf32>
      tpu.vector_store %arg10[%swap3A_54, %swap3A_55], %swap3A_58 {strides = array<i32>} : memref<128x128xf32, #tpu.memory_space<vmem>>, vector<1x16xf32>,
      %mul3A_59 = vector.broadcast %squeeze3A : f32 to vector<16xf32>
      %mul3A_60 = arith.mulf %scan3A_36#2, %mul3A_59 : vector<16xf32>
      %mul3A_61 = arith.constant 2 : i32
      %mul3A_62 = arith.muli %mul3A_20, %mul3A_61 : i32
      %add3A_63 = arith.constant 0 : i32
      %add3A_64 = arith.addi %mul3A_62, %add3A_63 : i32
      %swap3A_65 = arith.index_cast %add3A_64 : i32 to index
      %swap3A_66 = arith.constant 32 : index
      %swap3A_67 = tpu.vector_load %arg10[%swap3A_65, %swap3A_66] {strides = array<i32>} : memref<128x128xf32, #tpu.memory_space<vmem>>, vector<1x16xf32>,
      %swap3A_68 = vector.shape_cast %swap3A_67 : vector<1x16xf32> to vector<16xf32>
      %swap3A_69 = vector.shape_cast %mul3A_60 : vector<16xf32> to vector<1x16xf32>
      tpu.vector_store %arg10[%swap3A_65, %swap3A_66], %swap3A_69 {strides = array<i32>} : memref<128x128xf32, #tpu.memory_space<vmem>>, vector<1x16xf32>,
      %mul3A_70 = vector.broadcast %squeeze3A : f32 to vector<16xf32>
      %mul3A_71 = arith.mulf %scan3A_36#3, %mul3A_70 : vector<16xf32>
      %mul3A_72 = arith.constant 2 : i32
      %mul3A_73 = arith.muli %mul3A_20, %mul3A_72 : i32
      %add3A_74 = arith.constant 0 : i32
      %add3A_75 = arith.addi %mul3A_73, %add3A_74 : i32
      %swap3A_76 = arith.index_cast %add3A_75 : i32 to index
      %swap3A_77 = arith.constant 48 : index
      %swap3A_78 = tpu.vector_load %arg10[%swap3A_76, %swap3A_77] {strides = array<i32>} : memref<128x128xf32, #tpu.memory_space<vmem>>, vector<1x16xf32>,
      %swap3A_79 = vector.shape_cast %swap3A_78 : vector<1x16xf32> to vector<16xf32>
      %swap3A_80 = vector.shape_cast %mul3A_71 : vector<16xf32> to vector<1x16xf32>
      tpu.vector_store %arg10[%swap3A_76, %swap3A_77], %swap3A_80 {strides = array<i32>} : memref<128x128xf32, #tpu.memory_space<vmem>>, vector<1x16xf32>,
      %mul3A_81 = vector.broadcast %squeeze3A : f32 to vector<16xf32>
      %mul3A_82 = arith.mulf %scan3A_36#4, %mul3A_81 : vector<16xf32>
      %mul3A_83 = arith.constant 2 : i32
      %mul3A_84 = arith.muli %mul3A_20, %mul3A_83 : i32
      %add3A_85 = arith.constant 0 : i32
      %add3A_86 = arith.addi %mul3A_84, %add3A_85 : i32
      %swap3A_87 = arith.index_cast %add3A_86 : i32 to index
      %swap3A_88 = arith.constant 64 : index
      %swap3A_89 = tpu.vector_load %arg10[%swap3A_87, %swap3A_88] {strides = array<i32>} : memref<128x128xf32, #tpu.memory_space<vmem>>, vector<1x16xf32>,
      %swap3A_90 = vector.shape_cast %swap3A_89 : vector<1x16xf32> to vector<16xf32>
      %swap3A_91 = vector.shape_cast %mul3A_82 : vector<16xf32> to vector<1x16xf32>
      tpu.vector_store %arg10[%swap3A_87, %swap3A_88], %swap3A_91 {strides = array<i32>} : memref<128x128xf32, #tpu.memory_space<vmem>>, vector<1x16xf32>,
      %mul3A_92 = vector.broadcast %squeeze3A : f32 to vector<16xf32>
      %mul3A_93 = arith.mulf %scan3A_36#5, %mul3A_92 : vector<16xf32>
      %mul3A_94 = arith.constant 2 : i32
      %mul3A_95 = arith.muli %mul3A_20, %mul3A_94 : i32
      %add3A_96 = arith.constant 0 : i32
      %add3A_97 = arith.addi %mul3A_95, %add3A_96 : i32
      %swap3A_98 = arith.index_cast %add3A_97 : i32 to index
      %swap3A_99 = arith.constant 80 : index
      %swap3A_100 = tpu.vector_load %arg10[%swap3A_98, %swap3A_99] {strides = array<i32>} : memref<128x128xf32, #tpu.memory_space<vmem>>, vector<1x16xf32>,
      %swap3A_101 = vector.shape_cast %swap3A_100 : vector<1x16xf32> to vector<16xf32>
      %swap3A_102 = vector.shape_cast %mul3A_93 : vector<16xf32> to vector<1x16xf32>
      tpu.vector_store %arg10[%swap3A_98, %swap3A_99], %swap3A_102 {strides = array<i32>} : memref<128x128xf32, #tpu.memory_space<vmem>>, vector<1x16xf32>,
      %mul3A_103 = vector.broadcast %squeeze3A : f32 to vector<16xf32>
      %mul3A_104 = arith.mulf %scan3A_36#6, %mul3A_103 : vector<16xf32>
      %mul3A_105 = arith.constant 2 : i32
      %mul3A_106 = arith.muli %mul3A_20, %mul3A_105 : i32
      %add3A_107 = arith.constant 0 : i32
      %add3A_108 = arith.addi %mul3A_106, %add3A_107 : i32
      %swap3A_109 = arith.index_cast %add3A_108 : i32 to index
      %swap3A_110 = arith.constant 96 : index
      %swap3A_111 = tpu.vector_load %arg10[%swap3A_109, %swap3A_110] {strides = array<i32>} : memref<128x128xf32, #tpu.memory_space<vmem>>, vector<1x16xf32>,
      %swap3A_112 = vector.shape_cast %swap3A_111 : vector<1x16xf32> to vector<16xf32>
      %swap3A_113 = vector.shape_cast %mul3A_104 : vector<16xf32> to vector<1x16xf32>
      tpu.vector_store %arg10[%swap3A_109, %swap3A_110], %swap3A_113 {strides = array<i32>} : memref<128x128xf32, #tpu.memory_space<vmem>>, vector<1x16xf32>,
      %mul3A_114 = vector.broadcast %squeeze3A : f32 to vector<16xf32>
      %mul3A_115 = arith.mulf %scan3A_36#7, %mul3A_114 : vector<16xf32>
      %mul3A_116 = arith.constant 2 : i32
      %mul3A_117 = arith.muli %mul3A_20, %mul3A_116 : i32
      %add3A_118 = arith.constant 0 : i32
      %add3A_119 = arith.addi %mul3A_117, %add3A_118 : i32
      %swap3A_120 = arith.index_cast %add3A_119 : i32 to index
      %swap3A_121 = arith.constant 112 : index
      %swap3A_122 = tpu.vector_load %arg10[%swap3A_120, %swap3A_121] {strides = array<i32>} : memref<128x128xf32, #tpu.memory_space<vmem>>, vector<1x16xf32>,
      %swap3A_123 = vector.shape_cast %swap3A_122 : vector<1x16xf32> to vector<16xf32>
      %swap3A_124 = vector.shape_cast %mul3A_115 : vector<16xf32> to vector<1x16xf32>
      tpu.vector_store %arg10[%swap3A_120, %swap3A_121], %swap3A_124 {strides = array<i32>} : memref<128x128xf32, #tpu.memory_space<vmem>>, vector<1x16xf32>,
      %mul3A_125 = vector.broadcast %squeeze3A : f32 to vector<16xf32>
      %mul3A_126 = arith.mulf %scan3A_36#8, %mul3A_125 : vector<16xf32>
      %mul3A_127 = arith.constant 2 : i32
      %mul3A_128 = arith.muli %mul3A_20, %mul3A_127 : i32
      %add3A_129 = arith.constant 1 : i32
      %add3A_130 = arith.addi %mul3A_128, %add3A_129 : i32
      %swap3A_131 = arith.index_cast %add3A_130 : i32 to index
      %swap3A_132 = arith.constant 0 : index
      %swap3A_133 = tpu.vector_load %arg10[%swap3A_131, %swap3A_132] {strides = array<i32>} : memref<128x128xf32, #tpu.memory_space<vmem>>, vector<1x16xf32>,
      %swap3A_134 = vector.shape_cast %swap3A_133 : vector<1x16xf32> to vector<16xf32>
      %swap3A_135 = vector.shape_cast %mul3A_126 : vector<16xf32> to vector<1x16xf32>
      tpu.vector_store %arg10[%swap3A_131, %swap3A_132], %swap3A_135 {strides = array<i32>} : memref<128x128xf32, #tpu.memory_space<vmem>>, vector<1x16xf32>,
      %mul3A_136 = vector.broadcast %squeeze3A : f32 to vector<16xf32>
      %mul3A_137 = arith.mulf %scan3A_36#9, %mul3A_136 : vector<16xf32>
      %mul3A_138 = arith.constant 2 : i32
      %mul3A_139 = arith.muli %mul3A_20, %mul3A_138 : i32
      %add3A_140 = arith.constant 1 : i32
      %add3A_141 = arith.addi %mul3A_139, %add3A_140 : i32
      %swap3A_142 = arith.index_cast %add3A_141 : i32 to index
      %swap3A_143 = arith.constant 16 : index
      %swap3A_144 = tpu.vector_load %arg10[%swap3A_142, %swap3A_143] {strides = array<i32>} : memref<128x128xf32, #tpu.memory_space<vmem>>, vector<1x16xf32>,
      %swap3A_145 = vector.shape_cast %swap3A_144 : vector<1x16xf32> to vector<16xf32>
      %swap3A_146 = vector.shape_cast %mul3A_137 : vector<16xf32> to vector<1x16xf32>
      tpu.vector_store %arg10[%swap3A_142, %swap3A_143], %swap3A_146 {strides = array<i32>} : memref<128x128xf32, #tpu.memory_space<vmem>>, vector<1x16xf32>,
      %mul3A_147 = vector.broadcast %squeeze3A : f32 to vector<16xf32>
      %mul3A_148 = arith.mulf %scan3A_36#10, %mul3A_147 : vector<16xf32>
      %mul3A_149 = arith.constant 2 : i32
      %mul3A_150 = arith.muli %mul3A_20, %mul3A_149 : i32
      %add3A_151 = arith.constant 1 : i32
      %add3A_152 = arith.addi %mul3A_150, %add3A_151 : i32
      %swap3A_153 = arith.index_cast %add3A_152 : i32 to index
      %swap3A_154 = arith.constant 32 : index
      %swap3A_155 = tpu.vector_load %arg10[%swap3A_153, %swap3A_154] {strides = array<i32>} : memref<128x128xf32, #tpu.memory_space<vmem>>, vector<1x16xf32>,
      %swap3A_156 = vector.shape_cast %swap3A_155 : vector<1x16xf32> to vector<16xf32>
      %swap3A_157 = vector.shape_cast %mul3A_148 : vector<16xf32> to vector<1x16xf32>
      tpu.vector_store %arg10[%swap3A_153, %swap3A_154], %swap3A_157 {strides = array<i32>} : memref<128x128xf32, #tpu.memory_space<vmem>>, vector<1x16xf32>,
      %mul3A_158 = vector.broadcast %squeeze3A : f32 to vector<16xf32>
      %mul3A_159 = arith.mulf %scan3A_36#11, %mul3A_158 : vector<16xf32>
      %mul3A_160 = arith.constant 2 : i32
      %mul3A_161 = arith.muli %mul3A_20, %mul3A_160 : i32
      %add3A_162 = arith.constant 1 : i32
      %add3A_163 = arith.addi %mul3A_161, %add3A_162 : i32
      %swap3A_164 = arith.index_cast %add3A_163 : i32 to index
      %swap3A_165 = arith.constant 48 : index
      %swap3A_166 = tpu.vector_load %arg10[%swap3A_164, %swap3A_165] {strides = array<i32>} : memref<128x128xf32, #tpu.memory_space<vmem>>, vector<1x16xf32>,
      %swap3A_167 = vector.shape_cast %swap3A_166 : vector<1x16xf32> to vector<16xf32>
      %swap3A_168 = vector.shape_cast %mul3A_159 : vector<16xf32> to vector<1x16xf32>
      tpu.vector_store %arg10[%swap3A_164, %swap3A_165], %swap3A_168 {strides = array<i32>} : memref<128x128xf32, #tpu.memory_space<vmem>>, vector<1x16xf32>,
      %mul3A_169 = vector.broadcast %squeeze3A : f32 to vector<16xf32>
      %mul3A_170 = arith.mulf %scan3A_36#12, %mul3A_169 : vector<16xf32>
      %mul3A_171 = arith.constant 2 : i32
      %mul3A_172 = arith.muli %mul3A_20, %mul3A_171 : i32
      %add3A_173 = arith.constant 1 : i32
      %add3A_174 = arith.addi %mul3A_172, %add3A_173 : i32
      %swap3A_175 = arith.index_cast %add3A_174 : i32 to index
      %swap3A_176 = arith.constant 64 : index
      %swap3A_177 = tpu.vector_load %arg10[%swap3A_175, %swap3A_176] {strides = array<i32>} : memref<128x128xf32, #tpu.memory_space<vmem>>, vector<1x16xf32>,
      %swap3A_178 = vector.shape_cast %swap3A_177 : vector<1x16xf32> to vector<16xf32>
      %swap3A_179 = vector.shape_cast %mul3A_170 : vector<16xf32> to vector<1x16xf32>
      tpu.vector_store %arg10[%swap3A_175, %swap3A_176], %swap3A_179 {strides = array<i32>} : memref<128x128xf32, #tpu.memory_space<vmem>>, vector<1x16xf32>,
      %mul3A_180 = vector.broadcast %squeeze3A : f32 to vector<16xf32>
      %mul3A_181 = arith.mulf %scan3A_36#13, %mul3A_180 : vector<16xf32>
      %mul3A_182 = arith.constant 2 : i32
      %mul3A_183 = arith.muli %mul3A_20, %mul3A_182 : i32
      %add3A_184 = arith.constant 1 : i32
      %add3A_185 = arith.addi %mul3A_183, %add3A_184 : i32
      %swap3A_186 = arith.index_cast %add3A_185 : i32 to index
      %swap3A_187 = arith.constant 80 : index
      %swap3A_188 = tpu.vector_load %arg10[%swap3A_186, %swap3A_187] {strides = array<i32>} : memref<128x128xf32, #tpu.memory_space<vmem>>, vector<1x16xf32>,
      %swap3A_189 = vector.shape_cast %swap3A_188 : vector<1x16xf32> to vector<16xf32>
      %swap3A_190 = vector.shape_cast %mul3A_181 : vector<16xf32> to vector<1x16xf32>
      tpu.vector_store %arg10[%swap3A_186, %swap3A_187], %swap3A_190 {strides = array<i32>} : memref<128x128xf32, #tpu.memory_space<vmem>>, vector<1x16xf32>,
      %mul3A_191 = vector.broadcast %squeeze3A : f32 to vector<16xf32>
      %mul3A_192 = arith.mulf %scan3A_36#14, %mul3A_191 : vector<16xf32>
      %mul3A_193 = arith.constant 2 : i32
      %mul3A_194 = arith.muli %mul3A_20, %mul3A_193 : i32
      %add3A_195 = arith.constant 1 : i32
      %add3A_196 = arith.addi %mul3A_194, %add3A_195 : i32
      %swap3A_197 = arith.index_cast %add3A_196 : i32 to index
      %swap3A_198 = arith.constant 96 : index
      %swap3A_199 = tpu.vector_load %arg10[%swap3A_197, %swap3A_198] {strides = array<i32>} : memref<128x128xf32, #tpu.memory_space<vmem>>, vector<1x16xf32>,
      %swap3A_200 = vector.shape_cast %swap3A_199 : vector<1x16xf32> to vector<16xf32>
      %swap3A_201 = vector.shape_cast %mul3A_192 : vector<16xf32> to vector<1x16xf32>
      tpu.vector_store %arg10[%swap3A_197, %swap3A_198], %swap3A_201 {strides = array<i32>} : memref<128x128xf32, #tpu.memory_space<vmem>>, vector<1x16xf32>,
      %mul3A_202 = vector.broadcast %squeeze3A : f32 to vector<16xf32>
      %mul3A_203 = arith.mulf %scan3A_36#15, %mul3A_202 : vector<16xf32>
      %mul3A_204 = arith.constant 2 : i32
      %mul3A_205 = arith.muli %mul3A_20, %mul3A_204 : i32
      %add3A_206 = arith.constant 1 : i32
      %add3A_207 = arith.addi %mul3A_205, %add3A_206 : i32
      %swap3A_208 = arith.index_cast %add3A_207 : i32 to index
      %swap3A_209 = arith.constant 112 : index
      %swap3A_210 = tpu.vector_load %arg10[%swap3A_208, %swap3A_209] {strides = array<i32>} : memref<128x128xf32, #tpu.memory_space<vmem>>, vector<1x16xf32>,
      %swap3A_211 = vector.shape_cast %swap3A_210 : vector<1x16xf32> to vector<16xf32>
      %swap3A_212 = vector.shape_cast %mul3A_203 : vector<16xf32> to vector<1x16xf32>
      tpu.vector_store %arg10[%swap3A_208, %swap3A_209], %swap3A_212 {strides = array<i32>} : memref<128x128xf32, #tpu.memory_space<vmem>>, vector<1x16xf32>,
      %add3A_213 = arith.constant 2 : i32
      %add3A_214 = arith.addi %mul3A_20, %add3A_213 : i32
      %lt3A = arith.constant 64 : i32
      %lt3A_215 = arith.cmpi slt, %add3A_214, %lt3A : i32
      %convert_element_type3A = arith.extui %lt3A_215 : i1 to i32
      %cond3A = arith.constant 0 : i32
      %cond3A_216 = arith.cmpi ne, %convert_element_type3A, %cond3A : i32
      scf.if %cond3A_216 {
        %add3A_406 = arith.constant 2 : i32
        %add3A_407 = arith.addi %mul3A_20, %add3A_406 : i32
        %mul3A_408 = arith.constant 400 : i32
        %mul3A_409 = arith.muli %add3A_407, %mul3A_408 : i32
        %add3A_410 = arith.addi %mul3A_6, %mul3A_409 : i32
        "tpu.region"() ({
          %run_scoped3A = tpu.sem_alloc : memref<!tpu.dma_semaphore, #tpu.memory_space<semaphore_mem>>
          %dma_start3A_414 = tpu.memref_slice %arg2[%add3A_410] : memref<819200xi32, #tpu.memory_space<hbm>> -> memref<400xi32, #tpu.memory_space<hbm>>
          %dma_start3A_415 = tpu.memref_slice %arg2[%add3A_410] : memref<819200xi32, #tpu.memory_space<hbm>> -> memref<400xi32, #tpu.memory_space<hbm>>
          tpu.enqueue_dma source(%dma_start3A_415 : memref<400xi32, #tpu.memory_space<hbm>>) target(%arg6 : memref<400xi32, #tpu.memory_space<vmem>>) target_semaphore(%run_scoped3A : memref<!tpu.dma_semaphore, #tpu.memory_space<semaphore_mem>>)
          %dma_wait3A_416 = tpu.memref_slice %arg2[%add3A_410] : memref<819200xi32, #tpu.memory_space<hbm>> -> memref<400xi32, #tpu.memory_space<hbm>>
          %dma_wait3A_417 = tpu.memref_slice %arg2[%add3A_410] : memref<819200xi32, #tpu.memory_space<hbm>> -> memref<400xi32, #tpu.memory_space<hbm>>
          tpu.wait_dma2 semaphore(%run_scoped3A : memref<!tpu.dma_semaphore, #tpu.memory_space<semaphore_mem>>) src(%dma_wait3A_417 : memref<400xi32, #tpu.memory_space<hbm>>) dst(%arg6 : memref<400xi32, #tpu.memory_space<vmem>>)
          tpu.yield
        }) : () -> ()
        %dma_start3A_411 = arith.constant 0 : i32
        %dma_start3A_412 = arith.constant 0 : i32
        %dma_start3A_413 = tpu.memref_slice %arg3[%dma_start3A_411, %dma_start3A_412] : memref<100000x128xf32, #tpu.memory_space<hbm>> -> memref<100000x128xf32, #tpu.memory_space<hbm>>
        tpu.enqueue_indirect_dma source(%dma_start3A_413 : memref<100000x128xf32, #tpu.memory_space<hbm>>) target(%arg8 : memref<400x128xf32, #tpu.memory_space<vmem>>) offsets(%arg6 : memref<400xi32, #tpu.memory_space<vmem>>) semaphore(%arg11 : memref<!tpu.dma_semaphore, #tpu.memory_space<semaphore_mem>>)
      } else {
      }
      %dma_wait3A_217 = arith.constant 0 : i32
      %dma_wait3A_218 = arith.constant 0 : i32
      %dma_wait3A_219 = tpu.memref_slice %arg3[%dma_wait3A_217, %dma_wait3A_218] : memref<100000x128xf32, #tpu.memory_space<hbm>> -> memref<100000x128xf32, #tpu.memory_space<hbm>>
      tpu.wait_indirect_dma semaphore(%arg12 : memref<!tpu.dma_semaphore, #tpu.memory_space<semaphore_mem>>) src(%dma_wait3A_219 : memref<100000x128xf32, #tpu.memory_space<hbm>>) dst(%arg9 : memref<400x128xf32, #tpu.memory_space<vmem>>)
      %add3A_220 = arith.constant 1 : i32
      %add3A_221 = arith.addi %mul3A_20, %add3A_220 : i32
      %broadcast_in_dim3A_222 = arith.constant 0.000000e+00 : f32
      %broadcast_in_dim3A_223 = vector.broadcast %broadcast_in_dim3A_222 : f32 to vector<16xf32>
      %scan3A_224 = arith.constant 0 : i32
      %scan3A_225 = arith.constant 200 : i32
      %scan3A_226 = arith.addi %scan3A_224, %scan3A_225 : i32
      %scan3A_227 = arith.constant 1 : i32
      %scan3A_228:16 = scf.for %scan3A_406 = %scan3A_224 to %scan3A_226 step %scan3A_227 iter_args(%scan3A_407 = %broadcast_in_dim3A_223, %scan3A_408 = %broadcast_in_dim3A_223, %scan3A_409 = %broadcast_in_dim3A_223, %scan3A_410 = %broadcast_in_dim3A_223, %scan3A_411 = %broadcast_in_dim3A_223, %scan3A_412 = %broadcast_in_dim3A_223, %scan3A_413 = %broadcast_in_dim3A_223, %scan3A_414 = %broadcast_in_dim3A_223, %scan3A_415 = %broadcast_in_dim3A_223, %scan3A_416 = %broadcast_in_dim3A_223, %scan3A_417 = %broadcast_in_dim3A_223, %scan3A_418 = %broadcast_in_dim3A_223, %scan3A_419 = %broadcast_in_dim3A_223, %scan3A_420 = %broadcast_in_dim3A_223, %scan3A_421 = %broadcast_in_dim3A_223, %scan3A_422 = %broadcast_in_dim3A_223) -> (vector<16xf32>, vector<16xf32>, vector<16xf32>, vector<16xf32>, vector<16xf32>, vector<16xf32>, vector<16xf32>, vector<16xf32>, vector<16xf32>, vector<16xf32>, vector<16xf32>, vector<16xf32>, vector<16xf32>, vector<16xf32>, vector<16xf32>, vector<16xf32>)  : i32 {
        %add3A_423 = arith.constant 0 : i32
        %add3A_424 = arith.addi %add3A_423, %scan3A_406 : i32
        %get3A_425 = arith.index_cast %add3A_424 : i32 to index
        %get3A_426 = arith.constant 0 : index
        %get3A_427 = tpu.vector_load %arg9[%get3A_425, %get3A_426] {strides = array<i32>} : memref<400x128xf32, #tpu.memory_space<vmem>>, vector<1x16xf32>,
        %get3A_428 = vector.shape_cast %get3A_427 : vector<1x16xf32> to vector<16xf32>
        %add3A_429 = arith.addf %scan3A_407, %get3A_428 : vector<16xf32>
        %add3A_430 = arith.constant 0 : i32
        %add3A_431 = arith.addi %add3A_430, %scan3A_406 : i32
        %get3A_432 = arith.index_cast %add3A_431 : i32 to index
        %get3A_433 = arith.constant 16 : index
        %get3A_434 = tpu.vector_load %arg9[%get3A_432, %get3A_433] {strides = array<i32>} : memref<400x128xf32, #tpu.memory_space<vmem>>, vector<1x16xf32>,
        %get3A_435 = vector.shape_cast %get3A_434 : vector<1x16xf32> to vector<16xf32>
        %add3A_436 = arith.addf %scan3A_408, %get3A_435 : vector<16xf32>
        %add3A_437 = arith.constant 0 : i32
        %add3A_438 = arith.addi %add3A_437, %scan3A_406 : i32
        %get3A_439 = arith.index_cast %add3A_438 : i32 to index
        %get3A_440 = arith.constant 32 : index
        %get3A_441 = tpu.vector_load %arg9[%get3A_439, %get3A_440] {strides = array<i32>} : memref<400x128xf32, #tpu.memory_space<vmem>>, vector<1x16xf32>,
        %get3A_442 = vector.shape_cast %get3A_441 : vector<1x16xf32> to vector<16xf32>
        %add3A_443 = arith.addf %scan3A_409, %get3A_442 : vector<16xf32>
        %add3A_444 = arith.constant 0 : i32
        %add3A_445 = arith.addi %add3A_444, %scan3A_406 : i32
        %get3A_446 = arith.index_cast %add3A_445 : i32 to index
        %get3A_447 = arith.constant 48 : index
        %get3A_448 = tpu.vector_load %arg9[%get3A_446, %get3A_447] {strides = array<i32>} : memref<400x128xf32, #tpu.memory_space<vmem>>, vector<1x16xf32>,
        %get3A_449 = vector.shape_cast %get3A_448 : vector<1x16xf32> to vector<16xf32>
        %add3A_450 = arith.addf %scan3A_410, %get3A_449 : vector<16xf32>
        %add3A_451 = arith.constant 0 : i32
        %add3A_452 = arith.addi %add3A_451, %scan3A_406 : i32
        %get3A_453 = arith.index_cast %add3A_452 : i32 to index
        %get3A_454 = arith.constant 64 : index
        %get3A_455 = tpu.vector_load %arg9[%get3A_453, %get3A_454] {strides = array<i32>} : memref<400x128xf32, #tpu.memory_space<vmem>>, vector<1x16xf32>,
        %get3A_456 = vector.shape_cast %get3A_455 : vector<1x16xf32> to vector<16xf32>
        %add3A_457 = arith.addf %scan3A_411, %get3A_456 : vector<16xf32>
        %add3A_458 = arith.constant 0 : i32
        %add3A_459 = arith.addi %add3A_458, %scan3A_406 : i32
        %get3A_460 = arith.index_cast %add3A_459 : i32 to index
        %get3A_461 = arith.constant 80 : index
        %get3A_462 = tpu.vector_load %arg9[%get3A_460, %get3A_461] {strides = array<i32>} : memref<400x128xf32, #tpu.memory_space<vmem>>, vector<1x16xf32>,
        %get3A_463 = vector.shape_cast %get3A_462 : vector<1x16xf32> to vector<16xf32>
        %add3A_464 = arith.addf %scan3A_412, %get3A_463 : vector<16xf32>
        %add3A_465 = arith.constant 0 : i32
        %add3A_466 = arith.addi %add3A_465, %scan3A_406 : i32
        %get3A_467 = arith.index_cast %add3A_466 : i32 to index
        %get3A_468 = arith.constant 96 : index
        %get3A_469 = tpu.vector_load %arg9[%get3A_467, %get3A_468] {strides = array<i32>} : memref<400x128xf32, #tpu.memory_space<vmem>>, vector<1x16xf32>,
        %get3A_470 = vector.shape_cast %get3A_469 : vector<1x16xf32> to vector<16xf32>
        %add3A_471 = arith.addf %scan3A_413, %get3A_470 : vector<16xf32>
        %add3A_472 = arith.constant 0 : i32
        %add3A_473 = arith.addi %add3A_472, %scan3A_406 : i32
        %get3A_474 = arith.index_cast %add3A_473 : i32 to index
        %get3A_475 = arith.constant 112 : index
        %get3A_476 = tpu.vector_load %arg9[%get3A_474, %get3A_475] {strides = array<i32>} : memref<400x128xf32, #tpu.memory_space<vmem>>, vector<1x16xf32>,
        %get3A_477 = vector.shape_cast %get3A_476 : vector<1x16xf32> to vector<16xf32>
        %add3A_478 = arith.addf %scan3A_414, %get3A_477 : vector<16xf32>
        %add3A_479 = arith.constant 200 : i32
        %add3A_480 = arith.addi %add3A_479, %scan3A_406 : i32
        %get3A_481 = arith.index_cast %add3A_480 : i32 to index
        %get3A_482 = arith.constant 0 : index
        %get3A_483 = tpu.vector_load %arg9[%get3A_481, %get3A_482] {strides = array<i32>} : memref<400x128xf32, #tpu.memory_space<vmem>>, vector<1x16xf32>,
        %get3A_484 = vector.shape_cast %get3A_483 : vector<1x16xf32> to vector<16xf32>
        %add3A_485 = arith.addf %scan3A_415, %get3A_484 : vector<16xf32>
        %add3A_486 = arith.constant 200 : i32
        %add3A_487 = arith.addi %add3A_486, %scan3A_406 : i32
        %get3A_488 = arith.index_cast %add3A_487 : i32 to index
        %get3A_489 = arith.constant 16 : index
        %get3A_490 = tpu.vector_load %arg9[%get3A_488, %get3A_489] {strides = array<i32>} : memref<400x128xf32, #tpu.memory_space<vmem>>, vector<1x16xf32>,
        %get3A_491 = vector.shape_cast %get3A_490 : vector<1x16xf32> to vector<16xf32>
        %add3A_492 = arith.addf %scan3A_416, %get3A_491 : vector<16xf32>
        %add3A_493 = arith.constant 200 : i32
        %add3A_494 = arith.addi %add3A_493, %scan3A_406 : i32
        %get3A_495 = arith.index_cast %add3A_494 : i32 to index
        %get3A_496 = arith.constant 32 : index
        %get3A_497 = tpu.vector_load %arg9[%get3A_495, %get3A_496] {strides = array<i32>} : memref<400x128xf32, #tpu.memory_space<vmem>>, vector<1x16xf32>,
        %get3A_498 = vector.shape_cast %get3A_497 : vector<1x16xf32> to vector<16xf32>
        %add3A_499 = arith.addf %scan3A_417, %get3A_498 : vector<16xf32>
        %add3A_500 = arith.constant 200 : i32
        %add3A_501 = arith.addi %add3A_500, %scan3A_406 : i32
        %get3A_502 = arith.index_cast %add3A_501 : i32 to index
        %get3A_503 = arith.constant 48 : index
        %get3A_504 = tpu.vector_load %arg9[%get3A_502, %get3A_503] {strides = array<i32>} : memref<400x128xf32, #tpu.memory_space<vmem>>, vector<1x16xf32>,
        %get3A_505 = vector.shape_cast %get3A_504 : vector<1x16xf32> to vector<16xf32>
        %add3A_506 = arith.addf %scan3A_418, %get3A_505 : vector<16xf32>
        %add3A_507 = arith.constant 200 : i32
        %add3A_508 = arith.addi %add3A_507, %scan3A_406 : i32
        %get3A_509 = arith.index_cast %add3A_508 : i32 to index
        %get3A_510 = arith.constant 64 : index
        %get3A_511 = tpu.vector_load %arg9[%get3A_509, %get3A_510] {strides = array<i32>} : memref<400x128xf32, #tpu.memory_space<vmem>>, vector<1x16xf32>,
        %get3A_512 = vector.shape_cast %get3A_511 : vector<1x16xf32> to vector<16xf32>
        %add3A_513 = arith.addf %scan3A_419, %get3A_512 : vector<16xf32>
        %add3A_514 = arith.constant 200 : i32
        %add3A_515 = arith.addi %add3A_514, %scan3A_406 : i32
        %get3A_516 = arith.index_cast %add3A_515 : i32 to index
        %get3A_517 = arith.constant 80 : index
        %get3A_518 = tpu.vector_load %arg9[%get3A_516, %get3A_517] {strides = array<i32>} : memref<400x128xf32, #tpu.memory_space<vmem>>, vector<1x16xf32>,
        %get3A_519 = vector.shape_cast %get3A_518 : vector<1x16xf32> to vector<16xf32>
        %add3A_520 = arith.addf %scan3A_420, %get3A_519 : vector<16xf32>
        %add3A_521 = arith.constant 200 : i32
        %add3A_522 = arith.addi %add3A_521, %scan3A_406 : i32
        %get3A_523 = arith.index_cast %add3A_522 : i32 to index
        %get3A_524 = arith.constant 96 : index
        %get3A_525 = tpu.vector_load %arg9[%get3A_523, %get3A_524] {strides = array<i32>} : memref<400x128xf32, #tpu.memory_space<vmem>>, vector<1x16xf32>,
        %get3A_526 = vector.shape_cast %get3A_525 : vector<1x16xf32> to vector<16xf32>
        %add3A_527 = arith.addf %scan3A_421, %get3A_526 : vector<16xf32>
        %add3A_528 = arith.constant 200 : i32
        %add3A_529 = arith.addi %add3A_528, %scan3A_406 : i32
        %get3A_530 = arith.index_cast %add3A_529 : i32 to index
        %get3A_531 = arith.constant 112 : index
        %get3A_532 = tpu.vector_load %arg9[%get3A_530, %get3A_531] {strides = array<i32>} : memref<400x128xf32, #tpu.memory_space<vmem>>, vector<1x16xf32>,
        %get3A_533 = vector.shape_cast %get3A_532 : vector<1x16xf32> to vector<16xf32>
        %add3A_534 = arith.addf %scan3A_422, %get3A_533 : vector<16xf32>
        scf.yield %add3A_429, %add3A_436, %add3A_443, %add3A_450, %add3A_457, %add3A_464, %add3A_471, %add3A_478, %add3A_485, %add3A_492, %add3A_499, %add3A_506, %add3A_513, %add3A_520, %add3A_527, %add3A_534 : vector<16xf32>, vector<16xf32>, vector<16xf32>, vector<16xf32>, vector<16xf32>, vector<16xf32>, vector<16xf32>, vector<16xf32>, vector<16xf32>, vector<16xf32>, vector<16xf32>, vector<16xf32>, vector<16xf32>, vector<16xf32>, vector<16xf32>, vector<16xf32>
      }
      %scan3A_229 = arith.constant 200 : i32
      %mul3A_230 = vector.broadcast %squeeze3A : f32 to vector<16xf32>
      %mul3A_231 = arith.mulf %scan3A_228#0, %mul3A_230 : vector<16xf32>
      %mul3A_232 = arith.constant 2 : i32
      %mul3A_233 = arith.muli %add3A_221, %mul3A_232 : i32
      %add3A_234 = arith.constant 0 : i32
      %add3A_235 = arith.addi %mul3A_233, %add3A_234 : i32
      %swap3A_236 = arith.index_cast %add3A_235 : i32 to index
      %swap3A_237 = arith.constant 0 : index
      %swap3A_238 = tpu.vector_load %arg10[%swap3A_236, %swap3A_237] {strides = array<i32>} : memref<128x128xf32, #tpu.memory_space<vmem>>, vector<1x16xf32>,
      %swap3A_239 = vector.shape_cast %swap3A_238 : vector<1x16xf32> to vector<16xf32>
      %swap3A_240 = vector.shape_cast %mul3A_231 : vector<16xf32> to vector<1x16xf32>
      tpu.vector_store %arg10[%swap3A_236, %swap3A_237], %swap3A_240 {strides = array<i32>} : memref<128x128xf32, #tpu.memory_space<vmem>>, vector<1x16xf32>,
      %mul3A_241 = vector.broadcast %squeeze3A : f32 to vector<16xf32>
      %mul3A_242 = arith.mulf %scan3A_228#1, %mul3A_241 : vector<16xf32>
      %mul3A_243 = arith.constant 2 : i32
      %mul3A_244 = arith.muli %add3A_221, %mul3A_243 : i32
      %add3A_245 = arith.constant 0 : i32
      %add3A_246 = arith.addi %mul3A_244, %add3A_245 : i32
      %swap3A_247 = arith.index_cast %add3A_246 : i32 to index
      %swap3A_248 = arith.constant 16 : index
      %swap3A_249 = tpu.vector_load %arg10[%swap3A_247, %swap3A_248] {strides = array<i32>} : memref<128x128xf32, #tpu.memory_space<vmem>>, vector<1x16xf32>,
      %swap3A_250 = vector.shape_cast %swap3A_249 : vector<1x16xf32> to vector<16xf32>
      %swap3A_251 = vector.shape_cast %mul3A_242 : vector<16xf32> to vector<1x16xf32>
      tpu.vector_store %arg10[%swap3A_247, %swap3A_248], %swap3A_251 {strides = array<i32>} : memref<128x128xf32, #tpu.memory_space<vmem>>, vector<1x16xf32>,
      %mul3A_252 = vector.broadcast %squeeze3A : f32 to vector<16xf32>
      %mul3A_253 = arith.mulf %scan3A_228#2, %mul3A_252 : vector<16xf32>
      %mul3A_254 = arith.constant 2 : i32
      %mul3A_255 = arith.muli %add3A_221, %mul3A_254 : i32
      %add3A_256 = arith.constant 0 : i32
      %add3A_257 = arith.addi %mul3A_255, %add3A_256 : i32
      %swap3A_258 = arith.index_cast %add3A_257 : i32 to index
      %swap3A_259 = arith.constant 32 : index
      %swap3A_260 = tpu.vector_load %arg10[%swap3A_258, %swap3A_259] {strides = array<i32>} : memref<128x128xf32, #tpu.memory_space<vmem>>, vector<1x16xf32>,
      %swap3A_261 = vector.shape_cast %swap3A_260 : vector<1x16xf32> to vector<16xf32>
      %swap3A_262 = vector.shape_cast %mul3A_253 : vector<16xf32> to vector<1x16xf32>
      tpu.vector_store %arg10[%swap3A_258, %swap3A_259], %swap3A_262 {strides = array<i32>} : memref<128x128xf32, #tpu.memory_space<vmem>>, vector<1x16xf32>,
      %mul3A_263 = vector.broadcast %squeeze3A : f32 to vector<16xf32>
      %mul3A_264 = arith.mulf %scan3A_228#3, %mul3A_263 : vector<16xf32>
      %mul3A_265 = arith.constant 2 : i32
      %mul3A_266 = arith.muli %add3A_221, %mul3A_265 : i32
      %add3A_267 = arith.constant 0 : i32
      %add3A_268 = arith.addi %mul3A_266, %add3A_267 : i32
      %swap3A_269 = arith.index_cast %add3A_268 : i32 to index
      %swap3A_270 = arith.constant 48 : index
      %swap3A_271 = tpu.vector_load %arg10[%swap3A_269, %swap3A_270] {strides = array<i32>} : memref<128x128xf32, #tpu.memory_space<vmem>>, vector<1x16xf32>,
      %swap3A_272 = vector.shape_cast %swap3A_271 : vector<1x16xf32> to vector<16xf32>
      %swap3A_273 = vector.shape_cast %mul3A_264 : vector<16xf32> to vector<1x16xf32>
      tpu.vector_store %arg10[%swap3A_269, %swap3A_270], %swap3A_273 {strides = array<i32>} : memref<128x128xf32, #tpu.memory_space<vmem>>, vector<1x16xf32>,
      %mul3A_274 = vector.broadcast %squeeze3A : f32 to vector<16xf32>
      %mul3A_275 = arith.mulf %scan3A_228#4, %mul3A_274 : vector<16xf32>
      %mul3A_276 = arith.constant 2 : i32
      %mul3A_277 = arith.muli %add3A_221, %mul3A_276 : i32
      %add3A_278 = arith.constant 0 : i32
      %add3A_279 = arith.addi %mul3A_277, %add3A_278 : i32
      %swap3A_280 = arith.index_cast %add3A_279 : i32 to index
      %swap3A_281 = arith.constant 64 : index
      %swap3A_282 = tpu.vector_load %arg10[%swap3A_280, %swap3A_281] {strides = array<i32>} : memref<128x128xf32, #tpu.memory_space<vmem>>, vector<1x16xf32>,
      %swap3A_283 = vector.shape_cast %swap3A_282 : vector<1x16xf32> to vector<16xf32>
      %swap3A_284 = vector.shape_cast %mul3A_275 : vector<16xf32> to vector<1x16xf32>
      tpu.vector_store %arg10[%swap3A_280, %swap3A_281], %swap3A_284 {strides = array<i32>} : memref<128x128xf32, #tpu.memory_space<vmem>>, vector<1x16xf32>,
      %mul3A_285 = vector.broadcast %squeeze3A : f32 to vector<16xf32>
      %mul3A_286 = arith.mulf %scan3A_228#5, %mul3A_285 : vector<16xf32>
      %mul3A_287 = arith.constant 2 : i32
      %mul3A_288 = arith.muli %add3A_221, %mul3A_287 : i32
      %add3A_289 = arith.constant 0 : i32
      %add3A_290 = arith.addi %mul3A_288, %add3A_289 : i32
      %swap3A_291 = arith.index_cast %add3A_290 : i32 to index
      %swap3A_292 = arith.constant 80 : index
      %swap3A_293 = tpu.vector_load %arg10[%swap3A_291, %swap3A_292] {strides = array<i32>} : memref<128x128xf32, #tpu.memory_space<vmem>>, vector<1x16xf32>,
      %swap3A_294 = vector.shape_cast %swap3A_293 : vector<1x16xf32> to vector<16xf32>
      %swap3A_295 = vector.shape_cast %mul3A_286 : vector<16xf32> to vector<1x16xf32>
      tpu.vector_store %arg10[%swap3A_291, %swap3A_292], %swap3A_295 {strides = array<i32>} : memref<128x128xf32, #tpu.memory_space<vmem>>, vector<1x16xf32>,
      %mul3A_296 = vector.broadcast %squeeze3A : f32 to vector<16xf32>
      %mul3A_297 = arith.mulf %scan3A_228#6, %mul3A_296 : vector<16xf32>
      %mul3A_298 = arith.constant 2 : i32
      %mul3A_299 = arith.muli %add3A_221, %mul3A_298 : i32
      %add3A_300 = arith.constant 0 : i32
      %add3A_301 = arith.addi %mul3A_299, %add3A_300 : i32
      %swap3A_302 = arith.index_cast %add3A_301 : i32 to index
      %swap3A_303 = arith.constant 96 : index
      %swap3A_304 = tpu.vector_load %arg10[%swap3A_302, %swap3A_303] {strides = array<i32>} : memref<128x128xf32, #tpu.memory_space<vmem>>, vector<1x16xf32>,
      %swap3A_305 = vector.shape_cast %swap3A_304 : vector<1x16xf32> to vector<16xf32>
      %swap3A_306 = vector.shape_cast %mul3A_297 : vector<16xf32> to vector<1x16xf32>
      tpu.vector_store %arg10[%swap3A_302, %swap3A_303], %swap3A_306 {strides = array<i32>} : memref<128x128xf32, #tpu.memory_space<vmem>>, vector<1x16xf32>,
      %mul3A_307 = vector.broadcast %squeeze3A : f32 to vector<16xf32>
      %mul3A_308 = arith.mulf %scan3A_228#7, %mul3A_307 : vector<16xf32>
      %mul3A_309 = arith.constant 2 : i32
      %mul3A_310 = arith.muli %add3A_221, %mul3A_309 : i32
      %add3A_311 = arith.constant 0 : i32
      %add3A_312 = arith.addi %mul3A_310, %add3A_311 : i32
      %swap3A_313 = arith.index_cast %add3A_312 : i32 to index
      %swap3A_314 = arith.constant 112 : index
      %swap3A_315 = tpu.vector_load %arg10[%swap3A_313, %swap3A_314] {strides = array<i32>} : memref<128x128xf32, #tpu.memory_space<vmem>>, vector<1x16xf32>,
      %swap3A_316 = vector.shape_cast %swap3A_315 : vector<1x16xf32> to vector<16xf32>
      %swap3A_317 = vector.shape_cast %mul3A_308 : vector<16xf32> to vector<1x16xf32>
      tpu.vector_store %arg10[%swap3A_313, %swap3A_314], %swap3A_317 {strides = array<i32>} : memref<128x128xf32, #tpu.memory_space<vmem>>, vector<1x16xf32>,
      %mul3A_318 = vector.broadcast %squeeze3A : f32 to vector<16xf32>
      %mul3A_319 = arith.mulf %scan3A_228#8, %mul3A_318 : vector<16xf32>
      %mul3A_320 = arith.constant 2 : i32
      %mul3A_321 = arith.muli %add3A_221, %mul3A_320 : i32
      %add3A_322 = arith.constant 1 : i32
      %add3A_323 = arith.addi %mul3A_321, %add3A_322 : i32
      %swap3A_324 = arith.index_cast %add3A_323 : i32 to index
      %swap3A_325 = arith.constant 0 : index
      %swap3A_326 = tpu.vector_load %arg10[%swap3A_324, %swap3A_325] {strides = array<i32>} : memref<128x128xf32, #tpu.memory_space<vmem>>, vector<1x16xf32>,
      %swap3A_327 = vector.shape_cast %swap3A_326 : vector<1x16xf32> to vector<16xf32>
      %swap3A_328 = vector.shape_cast %mul3A_319 : vector<16xf32> to vector<1x16xf32>
      tpu.vector_store %arg10[%swap3A_324, %swap3A_325], %swap3A_328 {strides = array<i32>} : memref<128x128xf32, #tpu.memory_space<vmem>>, vector<1x16xf32>,
      %mul3A_329 = vector.broadcast %squeeze3A : f32 to vector<16xf32>
      %mul3A_330 = arith.mulf %scan3A_228#9, %mul3A_329 : vector<16xf32>
      %mul3A_331 = arith.constant 2 : i32
      %mul3A_332 = arith.muli %add3A_221, %mul3A_331 : i32
      %add3A_333 = arith.constant 1 : i32
      %add3A_334 = arith.addi %mul3A_332, %add3A_333 : i32
      %swap3A_335 = arith.index_cast %add3A_334 : i32 to index
      %swap3A_336 = arith.constant 16 : index
      %swap3A_337 = tpu.vector_load %arg10[%swap3A_335, %swap3A_336] {strides = array<i32>} : memref<128x128xf32, #tpu.memory_space<vmem>>, vector<1x16xf32>,
      %swap3A_338 = vector.shape_cast %swap3A_337 : vector<1x16xf32> to vector<16xf32>
      %swap3A_339 = vector.shape_cast %mul3A_330 : vector<16xf32> to vector<1x16xf32>
      tpu.vector_store %arg10[%swap3A_335, %swap3A_336], %swap3A_339 {strides = array<i32>} : memref<128x128xf32, #tpu.memory_space<vmem>>, vector<1x16xf32>,
      %mul3A_340 = vector.broadcast %squeeze3A : f32 to vector<16xf32>
      %mul3A_341 = arith.mulf %scan3A_228#10, %mul3A_340 : vector<16xf32>
      %mul3A_342 = arith.constant 2 : i32
      %mul3A_343 = arith.muli %add3A_221, %mul3A_342 : i32
      %add3A_344 = arith.constant 1 : i32
      %add3A_345 = arith.addi %mul3A_343, %add3A_344 : i32
      %swap3A_346 = arith.index_cast %add3A_345 : i32 to index
      %swap3A_347 = arith.constant 32 : index
      %swap3A_348 = tpu.vector_load %arg10[%swap3A_346, %swap3A_347] {strides = array<i32>} : memref<128x128xf32, #tpu.memory_space<vmem>>, vector<1x16xf32>,
      %swap3A_349 = vector.shape_cast %swap3A_348 : vector<1x16xf32> to vector<16xf32>
      %swap3A_350 = vector.shape_cast %mul3A_341 : vector<16xf32> to vector<1x16xf32>
      tpu.vector_store %arg10[%swap3A_346, %swap3A_347], %swap3A_350 {strides = array<i32>} : memref<128x128xf32, #tpu.memory_space<vmem>>, vector<1x16xf32>,
      %mul3A_351 = vector.broadcast %squeeze3A : f32 to vector<16xf32>
      %mul3A_352 = arith.mulf %scan3A_228#11, %mul3A_351 : vector<16xf32>
      %mul3A_353 = arith.constant 2 : i32
      %mul3A_354 = arith.muli %add3A_221, %mul3A_353 : i32
      %add3A_355 = arith.constant 1 : i32
      %add3A_356 = arith.addi %mul3A_354, %add3A_355 : i32
      %swap3A_357 = arith.index_cast %add3A_356 : i32 to index
      %swap3A_358 = arith.constant 48 : index
      %swap3A_359 = tpu.vector_load %arg10[%swap3A_357, %swap3A_358] {strides = array<i32>} : memref<128x128xf32, #tpu.memory_space<vmem>>, vector<1x16xf32>,
      %swap3A_360 = vector.shape_cast %swap3A_359 : vector<1x16xf32> to vector<16xf32>
      %swap3A_361 = vector.shape_cast %mul3A_352 : vector<16xf32> to vector<1x16xf32>
      tpu.vector_store %arg10[%swap3A_357, %swap3A_358], %swap3A_361 {strides = array<i32>} : memref<128x128xf32, #tpu.memory_space<vmem>>, vector<1x16xf32>,
      %mul3A_362 = vector.broadcast %squeeze3A : f32 to vector<16xf32>
      %mul3A_363 = arith.mulf %scan3A_228#12, %mul3A_362 : vector<16xf32>
      %mul3A_364 = arith.constant 2 : i32
      %mul3A_365 = arith.muli %add3A_221, %mul3A_364 : i32
      %add3A_366 = arith.constant 1 : i32
      %add3A_367 = arith.addi %mul3A_365, %add3A_366 : i32
      %swap3A_368 = arith.index_cast %add3A_367 : i32 to index
      %swap3A_369 = arith.constant 64 : index
      %swap3A_370 = tpu.vector_load %arg10[%swap3A_368, %swap3A_369] {strides = array<i32>} : memref<128x128xf32, #tpu.memory_space<vmem>>, vector<1x16xf32>,
      %swap3A_371 = vector.shape_cast %swap3A_370 : vector<1x16xf32> to vector<16xf32>
      %swap3A_372 = vector.shape_cast %mul3A_363 : vector<16xf32> to vector<1x16xf32>
      tpu.vector_store %arg10[%swap3A_368, %swap3A_369], %swap3A_372 {strides = array<i32>} : memref<128x128xf32, #tpu.memory_space<vmem>>, vector<1x16xf32>,
      %mul3A_373 = vector.broadcast %squeeze3A : f32 to vector<16xf32>
      %mul3A_374 = arith.mulf %scan3A_228#13, %mul3A_373 : vector<16xf32>
      %mul3A_375 = arith.constant 2 : i32
      %mul3A_376 = arith.muli %add3A_221, %mul3A_375 : i32
      %add3A_377 = arith.constant 1 : i32
      %add3A_378 = arith.addi %mul3A_376, %add3A_377 : i32
      %swap3A_379 = arith.index_cast %add3A_378 : i32 to index
      %swap3A_380 = arith.constant 80 : index
      %swap3A_381 = tpu.vector_load %arg10[%swap3A_379, %swap3A_380] {strides = array<i32>} : memref<128x128xf32, #tpu.memory_space<vmem>>, vector<1x16xf32>,
      %swap3A_382 = vector.shape_cast %swap3A_381 : vector<1x16xf32> to vector<16xf32>
      %swap3A_383 = vector.shape_cast %mul3A_374 : vector<16xf32> to vector<1x16xf32>
      tpu.vector_store %arg10[%swap3A_379, %swap3A_380], %swap3A_383 {strides = array<i32>} : memref<128x128xf32, #tpu.memory_space<vmem>>, vector<1x16xf32>,
      %mul3A_384 = vector.broadcast %squeeze3A : f32 to vector<16xf32>
      %mul3A_385 = arith.mulf %scan3A_228#14, %mul3A_384 : vector<16xf32>
      %mul3A_386 = arith.constant 2 : i32
      %mul3A_387 = arith.muli %add3A_221, %mul3A_386 : i32
      %add3A_388 = arith.constant 1 : i32
      %add3A_389 = arith.addi %mul3A_387, %add3A_388 : i32
      %swap3A_390 = arith.index_cast %add3A_389 : i32 to index
      %swap3A_391 = arith.constant 96 : index
      %swap3A_392 = tpu.vector_load %arg10[%swap3A_390, %swap3A_391] {strides = array<i32>} : memref<128x128xf32, #tpu.memory_space<vmem>>, vector<1x16xf32>,
      %swap3A_393 = vector.shape_cast %swap3A_392 : vector<1x16xf32> to vector<16xf32>
      %swap3A_394 = vector.shape_cast %mul3A_385 : vector<16xf32> to vector<1x16xf32>
      tpu.vector_store %arg10[%swap3A_390, %swap3A_391], %swap3A_394 {strides = array<i32>} : memref<128x128xf32, #tpu.memory_space<vmem>>, vector<1x16xf32>,
      %mul3A_395 = vector.broadcast %squeeze3A : f32 to vector<16xf32>
      %mul3A_396 = arith.mulf %scan3A_228#15, %mul3A_395 : vector<16xf32>
      %mul3A_397 = arith.constant 2 : i32
      %mul3A_398 = arith.muli %add3A_221, %mul3A_397 : i32
      %add3A_399 = arith.constant 1 : i32
      %add3A_400 = arith.addi %mul3A_398, %add3A_399 : i32
      %swap3A_401 = arith.index_cast %add3A_400 : i32 to index
      %swap3A_402 = arith.constant 112 : index
      %swap3A_403 = tpu.vector_load %arg10[%swap3A_401, %swap3A_402] {strides = array<i32>} : memref<128x128xf32, #tpu.memory_space<vmem>>, vector<1x16xf32>,
      %swap3A_404 = vector.shape_cast %swap3A_403 : vector<1x16xf32> to vector<16xf32>
      %swap3A_405 = vector.shape_cast %mul3A_396 : vector<16xf32> to vector<1x16xf32>
      tpu.vector_store %arg10[%swap3A_401, %swap3A_402], %swap3A_405 {strides = array<i32>} : memref<128x128xf32, #tpu.memory_space<vmem>>, vector<1x16xf32>,
    }
    %scan3A_15 = arith.constant 32 : i32
    %mul3A_16 = arith.constant 128 : i32
    %mul3A_17 = arith.muli %add3A, %mul3A_16 : i32
    "tpu.region"() ({
      %run_scoped3A = tpu.sem_alloc : memref<!tpu.dma_semaphore, #tpu.memory_space<semaphore_mem>>
      %dma_start3A_18 = arith.constant 0 : i32
      %dma_start3A_19 = tpu.memref_slice %arg5[%mul3A_17, %dma_start3A_18] : memref<4096x128xf32, #tpu.memory_space<hbm>> -> memref<128x128xf32, #tpu.memory_space<hbm>>
      %dma_start3A_20 = arith.constant 0 : i32
      %dma_start3A_21 = tpu.memref_slice %arg5[%mul3A_17, %dma_start3A_20] : memref<4096x128xf32, #tpu.memory_space<hbm>> -> memref<128x128xf32, #tpu.memory_space<hbm>>
      tpu.enqueue_dma source(%arg10 : memref<128x128xf32, #tpu.memory_space<vmem>>) target(%dma_start3A_21 : memref<128x128xf32, #tpu.memory_space<hbm>>) target_semaphore(%run_scoped3A : memref<!tpu.dma_semaphore, #tpu.memory_space<semaphore_mem>>)
      %dma_wait3A = arith.constant 0 : i32
      %dma_wait3A_22 = tpu.memref_slice %arg5[%mul3A_17, %dma_wait3A] : memref<4096x128xf32, #tpu.memory_space<hbm>> -> memref<128x128xf32, #tpu.memory_space<hbm>>
      %dma_wait3A_23 = arith.constant 0 : i32
      %dma_wait3A_24 = tpu.memref_slice %arg5[%mul3A_17, %dma_wait3A_23] : memref<4096x128xf32, #tpu.memory_space<hbm>> -> memref<128x128xf32, #tpu.memory_space<hbm>>
      tpu.wait_dma2 semaphore(%run_scoped3A : memref<!tpu.dma_semaphore, #tpu.memory_space<semaphore_mem>>) src(%arg10 : memref<128x128xf32, #tpu.memory_space<vmem>>) dst(%dma_wait3A_24 : memref<128x128xf32, #tpu.memory_space<hbm>>)
      tpu.yield
    }) : () -> ()
    return
  }
}

</mosaic_0001>

<sc_bundles>
// kernel: kernel.3.cloned.1.call-start
scs
__scs_entry_jumppad:
0x0: {  	(pc) =	sbr.rel $0x88, $3  }
0x1: {  	(tag) =	ssettag $0x0;
	lr =	simm.s32 $0x1  }
0x2: {  	[smem:$0x3F9F] =	sst lr;
	_ =	strace $0xD0000000  }
0x3: {  	_ = 	snop  }
0x4: {  	_ = 	snop  }
0x5: {  	_ = 	snop  }
0x6: {  	_ = 	snop  }
0x7: {  	_ = 	snop  }
__scs_overlays_trampoline_lowered:
0x8: {  	[smem:$0x3FAE] =	sst s0  }
0x9: {  	[smem:$0x3FAF] =	sst s1  }
0xa: {  	[smem:$0x3FB0] =	sst s2  }
0xb: {  	[smem:$0x3FB1] =	sst s3  }
0xc: {  	[smem:$0x3FB2] =	sst s4  }
0xd: {  	[smem:$0x3FB3] =	sst s5  }
0xe: {  	[smem:$0x3FB4] =	sst s6  }
0xf: {  	[smem:$0x3FB5] =	sst s7  }
0x10: {  	[smem:$0x3FB6] =	sst s8  }
0x11: {  	[smem:$0x3FB7] =	sst s9;
	s0 =	simm.s32 @!p0 $0x0  }
0x12: {  	s1 =	sld [smem:$0x3F9D];
	s0 =	simm.s32 @p0 $0x1  }
0x13: {  	[smem:$0x3FB8] =	sst s0;
	s0 =	simm.s32 @!p1 $0x0  }
0x14: {  	s2 =	sld [smem:$0x3F9C];
	s0 =	simm.s32 @p1 $0x1  }
0x15: {  	[smem:$0x3FB9] =	sst s0;
	s0 =	simm.s32 @!p2 $0x0  }
0x16: {  	s3 =	sld [smem:$0x3FDB];
	s0 =	simm.s32 @p2 $0x1  }
0x17: {  	s4 =	simm.s32 $0x1BF5;
	[smem:$0x3FBB] =	sst s0  }
0x18: {  	s0 =	sld [smem:$0x3F9E];
	_ =	swait.ge [sflag:s4], $0x0  }
0x19: {  	s7 =	sld [smem:$0x3F9F]  }
0x1a: {  	s8 =	sadd.s32 $0xFFFFE003, lr  }
0x1b: {  	s9 =	sadd.s32 $0xFFFFFEF7, lr;
	s5 =	simm.s32 $0xFFFFFFFF;
	p2 =	slt.u32 s8, $0xFFFFF086  }
0x1c: {  	p1 =	slt.u32 s9, $0xF7A;
	s5 =	simm.s32 @!p2 $0x0  }
0x1d: {  	s5 =	simm.s32 @p1 $0x1;
	p0 =	seq.s32 s7, s2  }
0x1e: {  	s7 =	smul.u32 @!p0 $0xF7A, s2;
	p2 =	seq.s32 @!p0 s5, $0x0  }
0x1f: {  	s9 =	smul.u32 $0xF7A, s1;
	s8 =	simm.s32 @!p0 $0x1BF5;
	p2 =	por !p2, p0  }
0x20: {  	[sflag:s8] =	ssyncset.s32 @!p0 $0xFFFFF086;
	s6 =	sadd.s32 @!p0 s3, s7;
	s7 =	simm.s32 @!p0 $0x108  }
0x21: {  	s3 =	sadd.s32 s3, s9;
	s6 =	sadd.s32 @!p0 $0x88, s6;
	s7 =	simm.s32 @p2 $0x1082  }
0x22: {  	[simem:s7], [sflag:s8] =	dma.local @!p0 [hbm:s6], $0xF7A  }
0x23: {  	s9 =	sor.u32 $0xD0000000, s2;
	s6 =	simm.s32 $0x108;
	_ =	swait.ge @!p0 [sflag:s8], $0x0  }
0x24: {  	s3 =	sadd.s32 $0x88, s3;
	s6 =	simm.s32 @!p1 $0x1082;
	[sflag:s4] =	ssyncset.s32 $0xFFFFF086  }
0x25: {  	[simem:s6], [sflag:s4] =	dma.local [hbm:s3], $0xF7A  }
0x26: {  	[smem:$0x3F9F] =	sst s1;
	(tag) =	ssettag s2;
	_ =	strace s9  }
0x27: {  	s1 =	sld [smem:$0x3FAF]  }
0x28: {  	s2 =	sld [smem:$0x3FB0]  }
0x29: {  	s4 =	sld [smem:$0x3FB2]  }
0x2a: {  	p0 =	seq.s32 s5, $0x0;
	s5 =	sld [smem:$0x3FB3]  }
0x2b: {  	s6 =	sld [smem:$0x3FB4]  }
0x2c: {  	s7 =	sld [smem:$0x3FB5]  }
0x2d: {  	s3 =	simm.s32 $0x108;
	s8 =	sld [smem:$0x3FB6]  }
0x2e: {  	s3 =	simm.s32 @!p0 $0x1082;
	s9 =	sld [smem:$0x3FB7]  }
0x2f: {  	lr =	sadd.s32 s0, s3;
	s0 =	sld [smem:$0x3FAE]  }
0x30: {  	s3 =	sld [smem:$0x3FB1]  }
0x31: {  	[smem:$0x3FBA] =	sst s10  }
0x32: {  	s10 =	sld [smem:$0x3FB8];
	_ =	sdelay $0x3  }
0x33: {  	p0 =	seq.s32 s10, $0x1;
	s10 =	sld [smem:$0x3FBA];
	_ =	sdelay $0x3  }
0x34: {  	[smem:$0x3FBA] =	sst s10  }
0x35: {  	s10 =	sld [smem:$0x3FB9];
	_ =	sdelay $0x3  }
0x36: {  	p1 =	seq.s32 s10, $0x1;
	s10 =	sld [smem:$0x3FBA];
	_ =	sdelay $0x3  }
0x37: {  	[smem:$0x3FBA] =	sst s10  }
0x38: {  	s10 =	sld [smem:$0x3FBB]  }
0x39: {  	_ = 	snop;
	(pc) =	sbr.ind lr, $3  }
0x3a: {  	_ = 	snop  }
0x3b: {  	_ = 	snop  }
0x3c: {  	p2 =	seq.s32 s10, $0x1;
	s10 =	sld [smem:$0x3FBA]  }
0x3d: {  	_ =	shalt  }
0x3e: {  	_ =	shalt  }
0x3f: {  	_ =	shalt  }
0x40: {  	_ =	shalt  }
0x41: {  	_ =	shalt  }
0x42: {  	_ =	shalt  }
0x43: {  	_ =	shalt  }
0x44: {  	_ =	shalt  }
0x45: {  	_ =	shalt  }
0x46: {  	_ =	shalt  }
0x47: {  	_ =	shalt  }
0x48: {  	_ =	shalt  }
0x49: {  	_ =	shalt  }
0x4a: {  	_ =	shalt  }
0x4b: {  	_ =	shalt  }
0x4c: {  	_ =	shalt  }
0x4d: {  	_ =	shalt  }
0x4e: {  	_ =	shalt  }
0x4f: {  	_ =	shalt  }
0x50: {  	_ =	shalt  }
0x51: {  	_ =	shalt  }
0x52: {  	_ =	shalt  }
0x53: {  	_ =	shalt  }
0x54: {  	_ =	shalt  }
0x55: {  	_ =	shalt  }
0x56: {  	_ =	shalt  }
0x57: {  	_ =	shalt  }
0x58: {  	_ =	shalt  }
0x59: {  	_ =	shalt  }
0x5a: {  	_ =	shalt  }
0x5b: {  	_ =	shalt  }
0x5c: {  	_ =	shalt  }
0x5d: {  	_ =	shalt  }
0x5e: {  	_ =	shalt  }
0x5f: {  	_ =	shalt  }
0x60: {  	_ =	shalt  }
0x61: {  	_ =	shalt  }
0x62: {  	_ =	shalt  }
0x63: {  	_ =	shalt  }
0x64: {  	_ =	shalt  }
0x65: {  	_ =	shalt  }
0x66: {  	_ =	shalt  }
0x67: {  	_ =	shalt  }
0x68: {  	_ =	shalt  }
0x69: {  	_ =	shalt  }
0x6a: {  	_ =	shalt  }
0x6b: {  	_ =	shalt  }
0x6c: {  	_ =	shalt  }
0x6d: {  	_ =	shalt  }
0x6e: {  	_ =	shalt  }
0x6f: {  	_ =	shalt  }
0x70: {  	_ =	shalt  }
0x71: {  	_ =	shalt  }
0x72: {  	_ =	shalt  }
0x73: {  	_ =	shalt  }
0x74: {  	_ =	shalt  }
0x75: {  	_ =	shalt  }
0x76: {  	_ =	shalt  }
0x77: {  	_ =	shalt  }
0x78: {  	_ =	shalt  }
0x79: {  	_ =	shalt  }
0x7a: {  	_ =	shalt  }
0x7b: {  	_ =	shalt  }
0x7c: {  	_ =	shalt  }
0x7d: {  	_ =	shalt  }
0x7e: {  	_ =	shalt  }
0x7f: {  	_ =	shalt  }
0x80: {  	_ =	shalt  }
0x81: {  	_ =	shalt  }
0x82: {  	_ =	shalt  }
0x83: {  	_ =	shalt  }
0x84: {  	_ =	shalt  }
0x85: {  	_ =	shalt  }
0x86: {  	_ =	shalt  }
0x87: {  	_ =	shalt  }
.Lfunc_end0:
.L_simem_size_0:
called_computation_lowered:
.L_overlay_start_0:
0x88: {  	s2 =	sld [smem:$0x3FD9]  }
0x89: {  	s3 =	sld [smem:$0x3FFE];
	_ =	sdelay $0x1  }
0x8a: {  	s1 =	srdreg.scid  }
0x8b: {  	s0 =	sand.u32 $0x1, s1  }
0x8c: {  	s17 =	sshll.u32 s0, $0xA;
	s2 =	sadd.s32 s3, s2  }
0x8d: {  	s2 =	sadd.s32 s2, s17  }
0x8e: {  	[smem:$0x3FC6] =	sst s2  }
0x8f: {  	_ = 	snop  }
0x90: {  	s2 =	sld [smem:$0x3FC8]  }
0x91: {  	s18 =	sld [smem:$0x3FD0];
	(tm) =	ssettm $0x1  }
0x92: {  	s4 =	sld [smem:$0x3FFB];
	_ =	sdelay $0x3  }
0x93: {  	_ =	strace s4  }
0x94: {  	s4 =	sld [smem:$0x3FFC];
	_ =	sdelay $0x3  }
0x95: {  	_ =	strace s4  }
0x96: {  	s4 =	sld [smem:$0x3FFD];
	_ =	sdelay $0x3  }
0x97: {  	_ =	strace s4  }
0x98: {  	_ =	strace $0x8FFFFFFF  }
0x99: {  	s19 =	sld [smem:$0x3FDB];
	_ =	sdelay $0x1  }
0x9a: {  	s5 =	simm.s32 $_scs_section_size  }
0x9b: {  	s6 =	simm.s32 $_size__tile_overlayer_lowered;
	s7 =	simm.s32 $_tile_overlayer_lowered  }
0x9c: {  	s22 =	simm.s32 $0x1BFF;
	s21 =	sshll.u32 s7, $0x1;
	s4 =	sadd.s32 s5, s19  }
0x9d: {  	s8 =	simm.s32 $0x0;
	s20 =	sshll.u32 s6, $0x1;
	s6 =	sadd.s32 s21, s4  }
0x9e: {  	[timem:s8], [sflag:s22] =	dma.local [hbm:s6], s20  }
0x9f: {  	_ =	swait.ge [sflag:s22], s20  }
0xa0: {  	s5 =	ssub.s32 $0x0, s20;
	[sflag:s22] =	ssyncset.done $0x0  }
0xa1: {  	[sflag:s22] =	ssyncadd.s32 s5;
	_ =	sdelay $0x1  }
0xa2: {  	s23 =	simm.s32 $0x1B8B  }
0xa3: {  	_ =	swait.ge [sflag:s23], $0x1  }
0xa4: {  	[sflag:s23] =	ssyncset.done $0x0  }
0xa5: {  	s25 =	simm.s32 $0x1B8E;
	s24 =	sld [smem:$0x3FFE];
	[sflag:s23] =	ssyncadd.s32 $0xFFFFFFFF  }
0xa6: {  	s26 =	simm.s32 $execute0_lowered;
	[smem:$0x3FD2] =	sst s25  }
0xa7: {  	s6 =	sshll.u32 s26, $0x1;
	_ =	strace $0x80000046;
	[dreg:$0x1] =	wrdreg $0xFFFFFFFF  }
0xa8: {  	s28 =	simm.s32 $_size_execute0_lowered;
	s4 =	sadd.s32 s4, s6;
	[dreg:$0x0] =	wrdreg $0x0  }
0xa9: {  	s6 =	sshll.u32 s28, $0x1;
	[dreg:$0x2] =	wrdreg s4  }
0xaa: {  	[dreg:$0x3] =	wrdreg s6  }
0xab: {  	[dreg:$0x4] =	wrdreg $0xC0  }
0xac: {  	_ =	task [dreg:s8], $0x5FFFF  }
0xad: {  	[dreg:$0x1] =	wrdreg $0xFFFFFFFF  }
0xae: {  	[dreg:$0x0] =	wrdreg $0x60  }
0xaf: {  	[dreg:$0x2] =	wrdreg s24  }
0xb0: {  	[dreg:$0x3] =	wrdreg s2  }
0xb1: {  	[dreg:$0x4] =	wrdreg s18  }
0xb2: {  	[dreg:$0x5] =	wrdreg $0x9  }
0xb3: {  	_ =	task.clear_ibuf [dreg:s8], $0x6FFFF;
	_ =	strace $0x90000046  }
0xb4: {  	s29 =	simm.s32 $0x9;
	_ =	strace $0x80000048  }
0xb5: {  	_ =	swait.ge [sflag:s29], $0x1  }
0xb6: {  	[sflag:s29] =	ssyncadd.s32 $0xFFFFFFFF  }
0xb7: {  	_ =	strace $0x90000048  }
0xb8: {  	_ =	sfence  }
0xb9: {  	s30 =	sld [smem:$0x0];
	_ =	sdelay $0x2  }
0xba: {  	s31 =	sshll.u32 s1, $0xD;
	s1 =	sshrl.u32 s1, $0x2  }
0xbb: {  	s3 =	sand.u32 $0x4000, s31;
	s1 =	sadd.s32 s1, s30  }
0xbc: {  	s0 =	sor.u32 s3, s0;
	s1 =	sshll.u32 s1, $0x11  }
0xbd: {  	s0 =	sor.u32 s1, s0  }
0xbe: {  	s0 =	sadd.s32 $0x8F2B, s0  }
0xbf: {  	[sflag:s0] =	ssyncadd.remote.s32 $0x1  }
0xc0: {  	_ =	sfence.sel $0xFFFF  }
0xc1: {  	[dreg:$0x0] =	wrdreg $0xFFFFFFFF;
	(pc) =	sbr.abs _section_cstart, $3  }
0xc2: {  	[dreg:$0x1] =	wrdreg $0xFFFFFFFF  }
0xc3: {  	_ =	task.clear_ibuf [dreg:s8], $0x2FFFF;
	_ =	strace $0x9FFFFFFF  }
0xc4: {  	(tm) =	ssettm $0x7FFFFFFF  }
0xc5: {  	_ =	shalt  }
tec
execute0_lowered:
.L_overlay_start_1:
0x0: {  	(tag) =	ssettag $0x1  }
0x1: {  	s6 =	rddreg [dreg:$0x0]  }
0x2: {  	s2 =	rddreg [dreg:$0x1]  }
0x3: {  	s0 =	srdreg.scid;
	s9 =	rddreg [dreg:$0x2]  }
0x4: {  	s1 =	stileid.u32;
	s3 =	simm.s32 $0x0;
	s12 =	simm.s32 $0x3  }
0x5: {  	s13 =	simm.s32 $0x190;
	s14 =	simm.s32 $0x400;
	s15 =	simm.s32 $0x200  }
0x6: {  	s16 =	simm.s32 $0xCC00;
	s17 =	simm.s32 $0x1;
	s18 =	simm.s32 $0x2  }
0x7: {  	s19 =	simm.s32 $0x19400;
	s4 =	sand.u32 $0x1, s0;
	s0 =	rddreg [dreg:$0x3]  }
0x8: {  	s20 =	simm.s32 $0x0;
	[smem:$0x7FF] =	sst s3;
	s5 =	sshll.u32 s4, $0x4  }
0x9: {  	s7 =	ssub.s32 $0x2, s4;
	_ =	strace $0x80000047;
	s10 =	sor.u32 s1, s5  }
0xa: {  	s5 =	sadd.s32 $0x400, s6;
	s8 =	sshrl.u32 s7, $0x1;
	s4 =	smul.u32 $0x6400, s10  }
0xb: {  	s6 =	sadd.s32 $0x19400, s6;
	s11 =	ssub.s32 s7, s8;
	s10 =	sshll.u32 s10, $0xB  }
0xc: {  	s9 =	sadd.s32 s9, s10;
	s10 =	smax.u32 s11, $0x1;
	s31 =	sshrl.u32 s4, $0x3  }
0xd: {  	s11 =	simm.s32 $0x1D400;
	s8 =	sor.u32 $0x320, s4;
	s7 =	sadd.s32 s5, s31  }
.LBB2_1:
0xe: {  	[tilespmem:s11], [sflag:$0x3] =	stream.linear.gather [hbm4b:s6+s3], $0x1, $0x38;
	[tilespmem:$0x1D480] =	vst v63  }
0xf: {  	_ =	swait.ge [sflag:s12], $0x1  }
0x10: {  	[sflag:s12] =	ssyncset.done $0x0  }
0x11: {  	[sflag:s12] =	ssyncadd.s32 $0xFFFFFFFF  }
0x12: {  	v0 =	vld.msk [tilespmem:$0x1D400 ss:$0x0], $0xffff;
	[tilespmem:s3], [sflag:$0x3] =	stream.linear.gather [hbm4b:s7+s3], $0x190, $0x38  }
0x13: {  	_ =	swait.ge [sflag:s12], $0x190  }
0x14: {  	[sflag:s12] =	ssyncset.done $0x0  }
0x15: {  	s21 =	simm.s32 $0x0;
	[sflag:s12] =	ssyncadd.s32 $0xFFFFFE70  }
0x16: {  	[tilespmem:s14], [sflag:$0x1] =	stream.indirect.gather [hbm4b:s2+s13], $0x80, s3, s13, $0xb8;
	[tilespmem:$0x1D480] =	vst v63  }
.LBB2_2:
0x17: {  	s22 =	sshllo.u32 s21, $0x1  }
0x18: {  	s23 =	smul.u32 $0x190, s22;
	_ =	sdelay $0x1  }
0x19: {  	s23 =	sadd.s32 s4, s23  }
0x1a: {  	s23 =	sshrl.u32 s23, $0x3  }
0x1b: {  	s24 =	simm.s32 $0x0;
	s23 =	sadd.s32 s5, s23  }
0x1c: {  	[tilespmem:s15], [sflag:$0x3] =	stream.linear.gather [hbm4b:s23+s24], $0x190, $0x38;
	[tilespmem:$0x1D480] =	vst v63  }
0x1d: {  	_ =	swait.ge [sflag:s12], $0x190  }
0x1e: {  	[sflag:s12] =	ssyncset.done $0x0  }
0x1f: {  	[sflag:s12] =	ssyncadd.s32 $0xFFFFFE70  }
0x20: {  	[tilespmem:s16], [sflag:$0x2] =	stream.indirect.gather [hbm4b:s2+s13], $0x80, s15, s13, $0xb8;
	[tilespmem:$0x1D480] =	vst v63  }
0x21: {  	_ =	swait.ge [sflag:s17], $0xC800  }
0x22: {  	[sflag:s17] =	ssyncset.done $0x0  }
0x23: {  	s25 =	simm.s32 $0x0;
	[sflag:s17] =	ssyncadd.s32 $0xFFFF3800  }
0x24: {  	v1 =	vld [tilespmem:s25+$0x6870]  }
0x25: {  	v3 =	vld [tilespmem:s25+$0x400]  }
0x26: {  	v4 =	vld [tilespmem:s25+$0x410]  }
0x27: {  	v5 =	vld [tilespmem:s25+$0x420]  }
0x28: {  	v6 =	vld [tilespmem:s25+$0x430]  }
0x29: {  	v7 =	vld [tilespmem:s25+$0x440]  }
0x2a: {  	v8 =	vld [tilespmem:s25+$0x450]  }
0x2b: {  	v9 =	vld [tilespmem:s25+$0x460]  }
0x2c: {  	v17 =	vld [tilespmem:s25+$0x470]  }
0x2d: {  	v2 =	vimm.f32 $0.0e+00;
	v18 =	vld [tilespmem:s25+$0x6800]  }
0x2e: {  	v22 =	vld [tilespmem:s25+$0x6810];
	v1 =	vadd.f32 v1, v2  }
0x2f: {  	v16 =	vadd.f32 v3, v2;
	v15 =	vadd.f32 v4, v2  }
0x30: {  	v21 =	vld [tilespmem:s25+$0x6820];
	v14 =	vadd.f32 v5, v2;
	v13 =	vadd.f32 v6, v2  }
0x31: {  	v20 =	vld [tilespmem:s25+$0x6830];
	v12 =	vadd.f32 v7, v2;
	v11 =	vadd.f32 v8, v2  }
0x32: {  	v19 =	vld [tilespmem:s25+$0x6840];
	v10 =	vadd.f32 v9, v2;
	v9 =	vadd.f32 v17, v2  }
0x33: {  	v8 =	vadd.f32 v18, v2;
	v17 =	vld [tilespmem:s25+$0x6850];
	v5 =	vadd.f32 v22, v2;
	v6 =	vimm.f32 $0.0e+00  }
0x34: {  	s23 =	simm.s32 $0x80;
	s24 =	simm.s32 $0x400;
	v18 =	vld [tilespmem:s25+$0x6860];
	v7 =	vimm.f32 $0.0e+00;
	v4 =	vimm.f32 $0.0e+00;
	v3 =	vimm.f32 $0.0e+00  }
.LBB2_3:
0x35: {  	p0 =	sne.s32 s24, $0x18E00;
	v22 =	vld [tilespmem:s23+$0x6870];
	v2 =	vadd.f32 v21, v2  }
0x36: {  	v21 =	vld [tilespmem:s23+$0x400];
	v6 =	vadd.f32 v20, v6  }
0x37: {  	v20 =	vld [tilespmem:s23+$0x410];
	v7 =	vadd.f32 v19, v7  }
0x38: {  	v19 =	vld [tilespmem:s23+$0x420];
	v4 =	vadd.f32 v17, v4  }
0x39: {  	v17 =	vld [tilespmem:s23+$0x430];
	v3 =	vadd.f32 v18, v3  }
0x3a: {  	v18 =	vld [tilespmem:s23+$0x440];
	v1 =	vadd.f32 v22, v1  }
0x3b: {  	v16 =	vadd.f32 v21, v16;
	v21 =	vld [tilespmem:s23+$0x450]  }
0x3c: {  	v15 =	vadd.f32 v20, v15;
	v20 =	vld [tilespmem:s23+$0x460]  }
0x3d: {  	v14 =	vadd.f32 v19, v14;
	v19 =	vld [tilespmem:s23+$0x470]  }
0x3e: {  	v13 =	vadd.f32 v17, v13;
	v17 =	vld [tilespmem:s23+$0x6800]  }
0x3f: {  	v12 =	vadd.f32 v18, v12;
	v18 =	vld [tilespmem:s23+$0x6810]  }
.Ltmp0:
0x40: {  	v11 =	vadd.f32 v21, v11;
	v21 =	vld [tilespmem:s23+$0x6820];
	(pc) =	sbr.rel @p0 .LBB2_3-.Ltmp0, $4  }
0x41: {  	v10 =	vadd.f32 v20, v10;
	v20 =	vld [tilespmem:s23+$0x6830]  }
0x42: {  	v9 =	vadd.f32 v19, v9;
	v19 =	vld [tilespmem:s23+$0x6840]  }
0x43: {  	v8 =	vadd.f32 v17, v8;
	v17 =	vld [tilespmem:s23+$0x6850]  }
0x44: {  	v5 =	vadd.f32 v18, v5;
	v18 =	vld [tilespmem:s23+$0x6860];
	s23 =	sshra.s32 s24, $0x2;
	s24 =	sadd.s32 $0x200, s24  }
0x45: {  	v22 =	vld [tilespmem:s23+$0x6870]  }
0x46: {  	v23 =	vld [tilespmem:s23+$0x400]  }
0x47: {  	v24 =	vld [tilespmem:s23+$0x410]  }
0x48: {  	v25 =	vld [tilespmem:s23+$0x420]  }
0x49: {  	v26 =	vld [tilespmem:s23+$0x430]  }
0x4a: {  	v27 =	vld [tilespmem:s23+$0x440]  }
0x4b: {  	v28 =	vld [tilespmem:s23+$0x450]  }
0x4c: {  	v29 =	vld [tilespmem:s23+$0x460]  }
0x4d: {  	v30 =	vld [tilespmem:s23+$0x470]  }
0x4e: {  	v31 =	vld [tilespmem:s23+$0x6800]  }
0x4f: {  	v32 =	vld [tilespmem:s23+$0x6810]  }
0x50: {  	v33 =	vld [tilespmem:s23+$0x6820];
	v16 =	vadd.f32 v23, v16  }
0x51: {  	v61 =	vld [tilespmem:s23+$0x6840];
	v15 =	vadd.f32 v24, v15  }
0x52: {  	v62 =	vld [tilespmem:s23+$0x6850];
	s24 =	sshll.u32 s21, $0x9;
	v14 =	vadd.f32 v25, v14;
	v16 =	vmul.f32 v16, v0  }
0x53: {  	v63 =	vld [tilespmem:s23+$0x6860];
	s30 =	sand.u32 $0x3FFFFE00, s24;
	v13 =	vadd.f32 v26, v13;
	v15 =	vmul.f32 v15, v0  }
0x54: {  	v23 =	vld [tilespmem:s23+$0x6830];
	v12 =	vadd.f32 v27, v12;
	v14 =	vmul.f32 v14, v0;
	[tilespmem:s30+$0x19400] =	vst v16  }
0x55: {  	v11 =	vadd.f32 v28, v11;
	v13 =	vmul.f32 v13, v0;
	[tilespmem:s30+$0x19410] =	vst v15  }
0x56: {  	v10 =	vadd.f32 v29, v10;
	v12 =	vmul.f32 v12, v0;
	[tilespmem:s30+$0x19420] =	vst v14  }
0x57: {  	v9 =	vadd.f32 v30, v9;
	v11 =	vmul.f32 v11, v0;
	[tilespmem:s30+$0x19430] =	vst v13  }
0x58: {  	v2 =	vadd.f32 v21, v2;
	v8 =	vadd.f32 v31, v8;
	v10 =	vmul.f32 v10, v0;
	[tilespmem:s30+$0x19440] =	vst v12  }
0x59: {  	v4 =	vadd.f32 v17, v4;
	v5 =	vadd.f32 v32, v5;
	v9 =	vmul.f32 v9, v0;
	[tilespmem:s30+$0x19450] =	vst v11  }
0x5a: {  	v7 =	vadd.f32 v19, v7;
	v2 =	vadd.f32 v33, v2;
	v8 =	vmul.f32 v8, v0;
	[tilespmem:s30+$0x19460] =	vst v10  }
0x5b: {  	v4 =	vadd.f32 v62, v4;
	v5 =	vmul.f32 v5, v0;
	[tilespmem:s30+$0x19470] =	vst v9  }
0x5c: {  	v3 =	vadd.f32 v18, v3;
	v7 =	vadd.f32 v61, v7;
	v2 =	vmul.f32 v2, v0;
	[tilespmem:s30+$0x19480] =	vst v8  }
0x5d: {  	v6 =	vadd.f32 v20, v6;
	v1 =	vadd.f32 v22, v1;
	v4 =	vmul.f32 v4, v0;
	[tilespmem:s30+$0x19490] =	vst v5  }
0x5e: {  	p0 =	seq.s32 s21, $0x1F;
	v3 =	vadd.f32 v63, v3;
	[tilespmem:s30+$0x194A0] =	vst v2;
	v2 =	vmul.f32 v7, v0  }
0x5f: {  	s24 =	smul.u32 @!p0 $0x320, s21;
	v1 =	vmul.f32 v1, v0;
	[tilespmem:s30+$0x194D0] =	vst v4;
	v6 =	vadd.f32 v23, v6  }
0x60: {  	[tilespmem:s30+$0x194C0] =	vst v2;
	v2 =	vmul.f32 v3, v0  }
0x61: {  	s24 =	sadd.s32 @!p0 s24, s8;
	[tilespmem:s30+$0x194F0] =	vst v1;
	v5 =	vmul.f32 v6, v0  }
0x62: {  	s24 =	sshrl.u32 @!p0 s24, $0x3;
	[tilespmem:s30+$0x194E0] =	vst v2  }
0x63: {  	s23 =	sadd.s32 @!p0 s5, s24;
	s24 =	simm.s32 @!p0 $0x0;
	[tilespmem:s30+$0x194B0] =	vst v5  }
0x64: {  	[tilespmem:s24], [sflag:$0x3] =	stream.linear.gather @!p0 [hbm4b:s23+s24], $0x190, $0x38;
	[tilespmem:$0x1D480] =	vst v63  }
0x65: {  	s23 =	simm.s32 @!p0 $0x3  }
0x66: {  	_ =	swait.ge @!p0 [sflag:s23], $0x190  }
0x67: {  	[sflag:s23] =	ssyncset.done @!p0 $0x0  }
0x68: {  	s25 =	simm.s32 @!p0 $0x400;
	[sflag:s23] =	ssyncadd.s32 @!p0 $0xFFFFFE70;
	s23 =	simm.s32 @!p0 $0x190  }
0x69: {  	[tilespmem:s25], [sflag:$0x1] =	stream.indirect.gather @!p0 [hbm4b:s2+s23], $0x80, s24, s23, $0xb8;
	[tilespmem:$0x1D480] =	vst v63  }
0x6a: {  	_ =	swait.ge [sflag:s18], $0xC800  }
0x6b: {  	[sflag:s18] =	ssyncset.done $0x0  }
0x6c: {  	s31 =	simm.s32 $0x0;
	[sflag:s18] =	ssyncadd.s32 $0xFFFF3800  }
0x6d: {  	v1 =	vld [tilespmem:s31+$0x13070]  }
0x6e: {  	v3 =	vld [tilespmem:s31+$0xCC00]  }
0x6f: {  	v4 =	vld [tilespmem:s31+$0xCC10]  }
0x70: {  	v5 =	vld [tilespmem:s31+$0xCC20]  }
0x71: {  	v6 =	vld [tilespmem:s31+$0xCC30]  }
0x72: {  	v7 =	vld [tilespmem:s31+$0xCC40]  }
0x73: {  	v8 =	vld [tilespmem:s31+$0xCC50]  }
0x74: {  	v9 =	vld [tilespmem:s31+$0xCC60]  }
0x75: {  	v17 =	vld [tilespmem:s31+$0xCC70]  }
0x76: {  	v2 =	vimm.f32 $0.0e+00;
	v18 =	vld [tilespmem:s31+$0x13000]  }
0x77: {  	v22 =	vld [tilespmem:s31+$0x13010];
	v1 =	vadd.f32 v1, v2  }
0x78: {  	v16 =	vadd.f32 v3, v2;
	v15 =	vadd.f32 v4, v2  }
0x79: {  	v21 =	vld [tilespmem:s31+$0x13020];
	v14 =	vadd.f32 v5, v2;
	v13 =	vadd.f32 v6, v2  }
0x7a: {  	v20 =	vld [tilespmem:s31+$0x13030];
	v12 =	vadd.f32 v7, v2;
	v11 =	vadd.f32 v8, v2  }
0x7b: {  	v19 =	vld [tilespmem:s31+$0x13040];
	v10 =	vadd.f32 v9, v2;
	v9 =	vadd.f32 v17, v2  }
0x7c: {  	v8 =	vadd.f32 v18, v2;
	v17 =	vld [tilespmem:s31+$0x13050];
	v5 =	vadd.f32 v22, v2;
	v6 =	vimm.f32 $0.0e+00  }
0x7d: {  	s23 =	simm.s32 $0x80;
	s24 =	simm.s32 $0x400;
	v18 =	vld [tilespmem:s31+$0x13060];
	v7 =	vimm.f32 $0.0e+00;
	v4 =	vimm.f32 $0.0e+00;
	v3 =	vimm.f32 $0.0e+00  }
.LBB2_5:
0x7e: {  	p0 =	sne.s32 s24, $0x18E00;
	v22 =	vld [tilespmem:s23+$0x13070];
	v2 =	vadd.f32 v21, v2  }
0x7f: {  	v21 =	vld [tilespmem:s23+$0xCC00];
	v6 =	vadd.f32 v20, v6  }
0x80: {  	v20 =	vld [tilespmem:s23+$0xCC10];
	v7 =	vadd.f32 v19, v7  }
0x81: {  	v19 =	vld [tilespmem:s23+$0xCC20];
	v4 =	vadd.f32 v17, v4  }
0x82: {  	v17 =	vld [tilespmem:s23+$0xCC30];
	v3 =	vadd.f32 v18, v3  }
0x83: {  	v18 =	vld [tilespmem:s23+$0xCC40];
	v1 =	vadd.f32 v22, v1  }
0x84: {  	v16 =	vadd.f32 v21, v16;
	v21 =	vld [tilespmem:s23+$0xCC50]  }
0x85: {  	v15 =	vadd.f32 v20, v15;
	v20 =	vld [tilespmem:s23+$0xCC60]  }
0x86: {  	v14 =	vadd.f32 v19, v14;
	v19 =	vld [tilespmem:s23+$0xCC70]  }
0x87: {  	v13 =	vadd.f32 v17, v13;
	v17 =	vld [tilespmem:s23+$0x13000]  }
0x88: {  	v12 =	vadd.f32 v18, v12;
	v18 =	vld [tilespmem:s23+$0x13010]  }
.Ltmp1:
0x89: {  	v11 =	vadd.f32 v21, v11;
	v21 =	vld [tilespmem:s23+$0x13020];
	(pc) =	sbr.rel @p0 .LBB2_5-.Ltmp1, $4  }
0x8a: {  	v10 =	vadd.f32 v20, v10;
	v20 =	vld [tilespmem:s23+$0x13030]  }
0x8b: {  	v9 =	vadd.f32 v19, v9;
	v19 =	vld [tilespmem:s23+$0x13040]  }
0x8c: {  	v8 =	vadd.f32 v17, v8;
	v17 =	vld [tilespmem:s23+$0x13050]  }
0x8d: {  	v5 =	vadd.f32 v18, v5;
	v18 =	vld [tilespmem:s23+$0x13060];
	s23 =	sshra.s32 s24, $0x2;
	s24 =	sadd.s32 $0x200, s24  }
0x8e: {  	v22 =	vld [tilespmem:s23+$0x13070]  }
0x8f: {  	v23 =	vld [tilespmem:s23+$0xCC00]  }
0x90: {  	v24 =	vld [tilespmem:s23+$0xCC10]  }
0x91: {  	v25 =	vld [tilespmem:s23+$0xCC20]  }
0x92: {  	v26 =	vld [tilespmem:s23+$0xCC30]  }
0x93: {  	v27 =	vld [tilespmem:s23+$0xCC40]  }
0x94: {  	v28 =	vld [tilespmem:s23+$0xCC50]  }
0x95: {  	v29 =	vld [tilespmem:s23+$0xCC60]  }
0x96: {  	v30 =	vld [tilespmem:s23+$0xCC70]  }
0x97: {  	v31 =	vld [tilespmem:s23+$0x13000]  }
0x98: {  	v32 =	vld [tilespmem:s23+$0x13010]  }
0x99: {  	v33 =	vld [tilespmem:s23+$0x13020];
	v16 =	vadd.f32 v23, v16  }
0x9a: {  	v59 =	vld [tilespmem:s23+$0x13030];
	v15 =	vadd.f32 v24, v15  }
0x9b: {  	v60 =	vld [tilespmem:s23+$0x13040];
	s22 =	sshll.u32 s22, $0x8;
	v14 =	vadd.f32 v25, v14;
	v16 =	vmul.f32 v16, v0  }
0x9c: {  	v61 =	vld [tilespmem:s23+$0x13050];
	s22 =	sand.u32 $0x3FFFFF00, s22;
	v13 =	vadd.f32 v26, v13;
	v15 =	vmul.f32 v15, v0  }
0x9d: {  	v62 =	vld [tilespmem:s23+$0x13060];
	v12 =	vadd.f32 v27, v12;
	v14 =	vmul.f32 v14, v0;
	[tilespmem:s22+$0x19400] =	vst v16  }
0x9e: {  	v11 =	vadd.f32 v28, v11;
	v13 =	vmul.f32 v13, v0;
	[tilespmem:s22+$0x19410] =	vst v15  }
0x9f: {  	v10 =	vadd.f32 v29, v10;
	v12 =	vmul.f32 v12, v0;
	[tilespmem:s22+$0x19420] =	vst v14  }
0xa0: {  	v9 =	vadd.f32 v30, v9;
	v11 =	vmul.f32 v11, v0;
	[tilespmem:s22+$0x19430] =	vst v13  }
0xa1: {  	v2 =	vadd.f32 v21, v2;
	v8 =	vadd.f32 v31, v8;
	v10 =	vmul.f32 v10, v0;
	[tilespmem:s22+$0x19440] =	vst v12  }
0xa2: {  	v6 =	vadd.f32 v20, v6;
	v5 =	vadd.f32 v32, v5;
	v9 =	vmul.f32 v9, v0;
	[tilespmem:s22+$0x19450] =	vst v11  }
0xa3: {  	v4 =	vadd.f32 v17, v4;
	v2 =	vadd.f32 v33, v2;
	v8 =	vmul.f32 v8, v0;
	[tilespmem:s22+$0x19460] =	vst v10  }
0xa4: {  	v7 =	vadd.f32 v19, v7;
	v6 =	vadd.f32 v59, v6;
	v5 =	vmul.f32 v5, v0;
	[tilespmem:s22+$0x19470] =	vst v9  }
0xa5: {  	v4 =	vadd.f32 v61, v4;
	v2 =	vmul.f32 v2, v0;
	[tilespmem:s22+$0x19480] =	vst v8  }
0xa6: {  	s21 =	sadd.s32 $0x1, s21;
	v3 =	vadd.f32 v18, v3;
	v7 =	vadd.f32 v60, v7;
	v63 =	vmul.f32 v6, v0;
	[tilespmem:s22+$0x19490] =	vst v5  }
0xa7: {  	p0 =	sne.s32 s21, $0x20;
	v1 =	vadd.f32 v22, v1;
	v4 =	vmul.f32 v4, v0;
	[tilespmem:s22+$0x194A0] =	vst v2  }
.Ltmp2:
0xa8: {  	v3 =	vadd.f32 v62, v3;
	v2 =	vmul.f32 v7, v0;
	[tilespmem:s22+$0x194B0] =	vst v63;
	(pc) =	sbr.rel @p0 .LBB2_2-.Ltmp2, $4  }
0xa9: {  	v1 =	vmul.f32 v1, v0;
	[tilespmem:s22+$0x194D0] =	vst v4  }
0xaa: {  	[tilespmem:s22+$0x194C0] =	vst v2;
	v2 =	vmul.f32 v3, v0  }
0xab: {  	[tilespmem:s22+$0x194F0] =	vst v1  }
0xac: {  	[tilespmem:s22+$0x194E0] =	vst v2  }
0xad: {  	s20 =	sadd.s32 $0x1, s20  }
0xae: {  	p0 =	sne.s32 s20, s10  }
.Ltmp3:
0xaf: {  	_ = 	snop;
	(pc) =	sbr.rel @p0 .LBB2_1-.Ltmp3, $4  }
0xb0: {  	[hbm4b:s9+s3] =	stream.linear.scatter [tilespmem:s19], [sflag:$0x3], $0x4000, $0x38;
	[tilespmem:$0x1D480] =	vst v63  }
0xb1: {  	_ =	swait.ge [sflag:s12], $0x4000  }
0xb2: {  	[sflag:s12] =	ssyncset.done $0x0  }
0xb3: {  	[sflag:s12] =	ssyncadd.s32 $0xFFFFC000  }
0xb4: {  	_ =	sfence.sel $0x180000  }
0xb5: {  	[bflag:$0x0] =	sbarrier.arrive $0xFFFF  }
0xb6: {  	p0 =	sne.s32 s1, $0x0;
	_ =	strace $0x90000047  }
0xb7: {  	s0 =	sadd.s32 @!p0 $0x100000, s0;
	[bflag:$0x2] =	sbarrier.arrive $0xFFFF  }
0xb8: {  	[sflag:s0] =	ssyncadd.tile.s32 @!p0 $0x1;
	_ =	shalt  }
.Lfunc_end2:
_tile_overlayer_lowered:
.L_overlay_start_2:
0xb9: {  	(tag) =	ssettag $0x2  }
0xba: {  	s0 =	rddreg [dreg:$0x0];
	s2 =	stileid.u32  }
0xbb: {  	s1 =	rddreg [dreg:$0x1];
	p0 =	sne.s32 s2, $0x0  }
0xbc: {  	s3 =	rddreg [dreg:$0x2];
	[bflag:$0x3] =	sbarrier.arrive $0xFFFF;
	s2 =	simm.s32 @!p0 $0x1C03  }
0xbd: {  	[timem:s3], [sflag:s2] =	dma.local @!p0 [hbm:s0], s1  }
0xbe: {  	s0 =	simm.s32 @!p0 $0x3  }
0xbf: {  	_ =	swait.ge @!p0 [sflag:s0], s1  }
0xc0: {  	s1 =	ssub.s32 @!p0 $0x0, s1;
	[sflag:s0] =	ssyncset.done @!p0 $0x0  }
0xc1: {  	[sflag:s0] =	ssyncadd.s32 @!p0 s1  }
0xc2: {  	[bflag:$0x3] =	sbarrier.arrive $0xFFFF  }
0xc3: {  	_ =	shalt  }

</sc_bundles>
